<compile_context>
chip_gen: v7x
topology: tpu7x:2x2x1
jax: 0.10.2.dev20260603
libtpu: 0.0.44.dev20260713+nightly
codegen_flags: <defaults>
</compile_context>

<pallas_src>
import functools

import jax
import jax.numpy as jnp
from jax import lax
from jax.experimental import pallas as pl
from jax.experimental.pallas import tpu as pltpu
from jax.experimental.pallas import tpu_sc as plsc

N = 10000
D = 128
OUT = 128
E = 160000

NC = 2
NS = 16
K = 128
G = 8
NCH = 80
NG = NCH // G
EPT_PAD = NCH * K
N_PAD = 10112
RT = N_PAD // NS
DA = D + 16
_BLOCKS = [(o, min(K, RT - o)) for o in range(0, RT, K)]

_mesh = plsc.VectorSubcoreMesh(
    core_axis_name="c", subcore_axis_name="s", num_cores=NC, num_subcores=NS
)


@functools.partial(
    pl.kernel,
    out_type=jax.ShapeDtypeStruct((NC, N_PAD, DA), jnp.float32),
    mesh=_mesh,
    compiler_params=pltpu.CompilerParams(use_tc_tiling_on_sc=False),
    scratch_types=[
        pltpu.VMEM((2 * G, K), jnp.int32),
        pltpu.VMEM((G, K), jnp.int32),
        pltpu.VMEM((K, DA), jnp.float32),
        pltpu.VMEM((K, DA), jnp.float32),
        pltpu.SemaphoreType.DMA,
        pltpu.SemaphoreType.DMA,
        pltpu.SemaphoreType.DMA,
        pltpu.VMEM_SHARED((N_PAD, DA), jnp.float32),
    ],
)
def _sc_agg(feat_h, srcs_h, dsts_h, seg_h, src_v, dst_v, rows0_v, rows1_v,
            sem0, sem1, semi, acc_sh):
    c = lax.axis_index("c")
    s = lax.axis_index("s")

    zero = jnp.zeros((16,), jnp.float32)
    base = s * RT

    def fill_zero(r, _):
        for k in range(DA // 16):
            rows0_v[r, pl.ds(k * 16, 16)] = zero
        return 0

    lax.fori_loop(0, K, fill_zero, 0)

    for off, sz in _BLOCKS:
        pltpu.sync_copy(rows0_v.at[pl.ds(0, sz)],
                        acc_sh.at[pl.ds(base + off, sz)])

    plsc.subcore_barrier()

    bufs = (rows0_v, rows1_v)
    sems = (sem0, sem1)

    pltpu.sync_copy(srcs_h.at[c, s, pl.ds(0, G)], src_v.at[pl.ds(0, G)])
    pltpu.async_copy(feat_h.at[src_v.at[0]], rows0_v, sem0)
    pltpu.async_copy(feat_h.at[src_v.at[1]], rows1_v, sem1)

    def group(h, _):
        half = lax.rem(h, 2) * G
        nhalf = G - half
        pltpu.sync_copy(dsts_h.at[c, s, pl.ds(h * G, G)], dst_v)

        for cj in range(G):
            b = cj % 2
            if cj == 0:
                @pl.when(h < NG - 1)
                def _():
                    pltpu.async_copy(srcs_h.at[c, s, pl.ds((h + 1) * G, G)],
                                     src_v.at[pl.ds(nhalf, G)], semi)

            if cj == G - 2:
                @pl.when(h < NG - 1)
                def _():
                    pltpu.make_async_copy(
                        srcs_h.at[c, s, pl.ds((h + 1) * G, G)],
                        src_v.at[pl.ds(nhalf, G)], semi).wait()

            pltpu.make_async_copy(feat_h.at[src_v.at[half + cj]], bufs[b],
                                  sems[b]).wait()
            pltpu.sync_copy(bufs[b], acc_sh.at[dst_v.at[cj]], add=True)

            if cj < G - 2:
                pltpu.async_copy(feat_h.at[src_v.at[half + cj + 2]],
                                 bufs[b], sems[b])
            else:
                @pl.when(h < NG - 1)
                def _():
                    pltpu.async_copy(feat_h.at[src_v.at[nhalf + cj - (G - 2)]],
                                     bufs[b], sems[b])

        return 0

    lax.fori_loop(0, NG, group, 0)

    plsc.subcore_barrier()

    for off, sz in _BLOCKS:
        pltpu.sync_copy(acc_sh.at[pl.ds(base + off, sz)],
                        seg_h.at[c, pl.ds(base + off, sz)])


BN = 1000


def _dense_body(f_ref, seg_ref, ws_ref, wn_ref, b_ref, o_ref):
    su = seg_ref[0, :, 0:D]
    sr = seg_ref[1, :, 0:D]
    cu = jnp.maximum(seg_ref[0, :, D:D + 1], 1.0)
    cr = jnp.maximum(seg_ref[1, :, D:D + 1], 1.0)
    acc = jnp.dot(f_ref[...], ws_ref[...], preferred_element_type=jnp.float32)
    acc += jnp.dot(su / cu, wn_ref[0:D, :], preferred_element_type=jnp.float32)
    acc += jnp.dot(sr / cr, wn_ref[D:2 * D, :],
                   preferred_element_type=jnp.float32)
    o_ref[...] = acc + b_ref[...]


def _dense(feat, seg, W_self, W_neigh, bias2d):
    return pl.pallas_call(
        _dense_body,
        grid=(N // BN,),
        in_specs=[
            pl.BlockSpec((BN, D), lambda i: (i, 0)),
            pl.BlockSpec((NC, BN, DA), lambda i: (0, i, 0)),
            pl.BlockSpec((D, OUT), lambda i: (0, 0)),
            pl.BlockSpec((2 * D, OUT), lambda i: (0, 0)),
            pl.BlockSpec((1, OUT), lambda i: (0, 0)),
        ],
        out_specs=pl.BlockSpec((BN, OUT), lambda i: (i, 0)),
        out_shape=jax.ShapeDtypeStruct((N, OUT), jnp.float32),
    )(feat, seg, W_self, W_neigh, bias2d)


def _prep_edges(ei):
    src = ei[0].astype(jnp.int32)
    dst = ei[1].astype(jnp.int32)
    pad = NS * EPT_PAD - E
    src = jnp.concatenate([src, jnp.zeros((pad,), jnp.int32)])
    dst = jnp.concatenate([dst, jnp.full((pad,), N, jnp.int32)])
    return src.reshape(NS, NCH, K), dst.reshape(NS, NCH, K)


@jax.jit
def kernel(feat, edge_index_user, edge_index_reuse, W_self, W_neigh, bias):
    feat = feat.astype(jnp.float32)
    aug = jnp.concatenate(
        [feat,
         jnp.ones((N, 1), jnp.float32),
         jnp.zeros((N, DA - D - 1), jnp.float32)], axis=1)
    su, du = _prep_edges(edge_index_user)
    sr, dr = _prep_edges(edge_index_reuse)
    srcs = jnp.stack([su, sr])
    dsts = jnp.stack([du, dr])
    seg = _sc_agg(aug, srcs, dsts)
    return _dense(feat, seg, W_self, W_neigh, bias.reshape(1, OUT))

# --- scband reference (transcript-rebuilt; emitter-appended) ---
"""Pipeline reference for scband-sageconv-n-42717744726727 (READ-ONLY COPY).

The authoritative reference and input builder live on the scoring server;
editing this copy changes nothing except your own understanding.
"""

import jax, jax.numpy as jnp
import numpy as np

N = 10000
D = 128
OUT = 128
E = 160000


def setup_inputs(seed: int = 0) -> dict:
    key = jax.random.key(seed)
    ks = jax.random.split(key, 5)
    feat = jax.random.normal(ks[0], (N, D), dtype=jnp.float32)
    edge_index_user = jax.random.randint(ks[1], (2, E), 0, N).astype(jnp.int64)
    edge_index_reuse = jax.random.randint(ks[2], (2, E), 0, N).astype(jnp.int64)
    # Learned params (xavier_uniform with relu gain, as in reset_parameters)
    gain = np.sqrt(2.0)
    lim_self = gain * np.sqrt(6.0 / (D + OUT))
    lim_neigh = gain * np.sqrt(6.0 / (2 * D + OUT))
    # stored as (in, out) so forward is x @ W (torch Linear weight is (out,in))
    W_self = jax.random.uniform(ks[3], (D, OUT), dtype=jnp.float32, minval=-lim_self, maxval=lim_self)
    W_neigh = jax.random.uniform(ks[4], (2 * D, OUT), dtype=jnp.float32, minval=-lim_neigh, maxval=lim_neigh)
    bias = jnp.zeros((OUT,), dtype=jnp.float32)
    return {
        "feat": feat,
        "edge_index_user": edge_index_user,
        "edge_index_reuse": edge_index_reuse,
        "W_self": W_self,
        "W_neigh": W_neigh,
        "bias": bias,
    }


def _mean_agg(feat, edge_index):
    # DGL copy_u('h','m') + mean('m','neigh'): gather src feats, mean-reduce by dst.
    src = edge_index[0]
    dst = edge_index[1]
    msg = jnp.take(feat, src, axis=0)
    s = jax.ops.segment_sum(msg, dst, num_segments=N)
    cnt = jax.ops.segment_sum(jnp.ones((edge_index.shape[1],), dtype=feat.dtype), dst, num_segments=N)
    # zero in-degree nodes get 0 (DGL mean reducer semantics)
    return s / jnp.maximum(cnt, 1.0)[:, None]


def reference(feat, edge_index_user, edge_index_reuse, W_self, W_neigh, bias):
    # aggregator_type='mean', feat_drop=0 (identity), no edge_weight.
    h_self = feat
    # multi_update_all over etypes {'user','reuse'} with cross_reducer=concat(dim=1)
    neigh_u = _mean_agg(feat, edge_index_user)
    neigh_r = _mean_agg(feat, edge_index_reuse)
    h_neigh = jnp.concatenate([neigh_u, neigh_r], axis=1)
    h_neigh = h_neigh @ W_neigh  # fc_neigh: Linear(2*in, out, bias=False)
    rst = h_self @ W_self + h_neigh  # fc_self: Linear(in, out, bias=False)
    rst = rst + bias
    # activation=None, norm=None
    return rst

if __name__ == "__main__":
    import jax
    _d = setup_inputs()
    print(jax.jit(kernel)(*tuple(_d.values())))

</pallas_src>

<mosaic_0001>
#map = affine_map<(d0, d1) -> (0, 0)>
#map1 = affine_map<(d0, d1) -> (0, 0, 0, 0)>
#map2 = affine_map<(d0, d1) -> (0, 0, 0)>
module attributes {stable_mosaic.version = 14 : i64} {
  func.func @_sc_agg(%arg0: i32, %arg1: i32, %arg2: memref<10000x144xf32, #tpu.memory_space<hbm>>, %arg3: memref<2x16x80x128xi32, #tpu.memory_space<hbm>>, %arg4: memref<2x16x80x128xi32, #tpu.memory_space<hbm>>, %arg5: memref<2x10112x144xf32, #tpu.memory_space<hbm>>, %arg6: memref<16x128xi32, #tpu.memory_space<vmem>>, %arg7: memref<8x128xi32, #tpu.memory_space<vmem>>, %arg8: memref<128x144xf32, #tpu.memory_space<vmem>>, %arg9: memref<128x144xf32, #tpu.memory_space<vmem>>, %arg10: memref<!tpu.dma_semaphore, #tpu.memory_space<semaphore_mem>>, %arg11: memref<!tpu.dma_semaphore, #tpu.memory_space<semaphore_mem>>, %arg12: memref<!tpu.dma_semaphore, #tpu.memory_space<semaphore_mem>>, %arg13: memref<10112x144xf32, #tpu.memory_space<vmem_shared>>) attributes {dimension_semantics = [#tpu.dimension_semantics<core_parallel>, #tpu.dimension_semantics<subcore_parallel>], iteration_bounds = array<i64: 2, 16>, scalar_prefetch = 0 : i64, scratch_operands = 8 : i64, tpu.core_type = #tpu.core_type<sc_vector_subcore>, window_params = [{transform_indices = #map}, {transform_indices = #map1}, {transform_indices = #map1}, {transform_indices = #map2}]} {
    %broadcast_in_dim3A = arith.constant 0.000000e+00 : f32
    %broadcast_in_dim3A_0 = vector.broadcast %broadcast_in_dim3A : f32 to vector<16xf32>
    %mul3A = arith.constant 632 : i32
    %mul3A_1 = arith.muli %arg1, %mul3A : i32
    %scan3A = arith.constant 0 : i32
    %scan3A_2 = arith.constant 0 : i32
    %scan3A_3 = arith.constant 128 : i32
    %scan3A_4 = arith.addi %scan3A_2, %scan3A_3 : i32
    %scan3A_5 = arith.constant 1 : i32
    %scan3A_6 = scf.for %scan3A_58 = %scan3A_2 to %scan3A_4 step %scan3A_5 iter_args(%scan3A_59 = %scan3A) -> (i32)  : i32 {
      %swap3A = arith.index_cast %scan3A_58 : i32 to index
      %swap3A_60 = arith.constant 0 : index
      %swap3A_61 = tpu.vector_load %arg8[%swap3A, %swap3A_60] {strides = array<i32>} : memref<128x144xf32, #tpu.memory_space<vmem>>, vector<1x16xf32>,
      %swap3A_62 = vector.shape_cast %swap3A_61 : vector<1x16xf32> to vector<16xf32>
      %swap3A_63 = vector.shape_cast %broadcast_in_dim3A_0 : vector<16xf32> to vector<1x16xf32>
      tpu.vector_store %arg8[%swap3A, %swap3A_60], %swap3A_63 {strides = array<i32>} : memref<128x144xf32, #tpu.memory_space<vmem>>, vector<1x16xf32>,
      %swap3A_64 = arith.index_cast %scan3A_58 : i32 to index
      %swap3A_65 = arith.constant 16 : index
      %swap3A_66 = tpu.vector_load %arg8[%swap3A_64, %swap3A_65] {strides = array<i32>} : memref<128x144xf32, #tpu.memory_space<vmem>>, vector<1x16xf32>,
      %swap3A_67 = vector.shape_cast %swap3A_66 : vector<1x16xf32> to vector<16xf32>
      %swap3A_68 = vector.shape_cast %broadcast_in_dim3A_0 : vector<16xf32> to vector<1x16xf32>
      tpu.vector_store %arg8[%swap3A_64, %swap3A_65], %swap3A_68 {strides = array<i32>} : memref<128x144xf32, #tpu.memory_space<vmem>>, vector<1x16xf32>,
      %swap3A_69 = arith.index_cast %scan3A_58 : i32 to index
      %swap3A_70 = arith.constant 32 : index
      %swap3A_71 = tpu.vector_load %arg8[%swap3A_69, %swap3A_70] {strides = array<i32>} : memref<128x144xf32, #tpu.memory_space<vmem>>, vector<1x16xf32>,
      %swap3A_72 = vector.shape_cast %swap3A_71 : vector<1x16xf32> to vector<16xf32>
      %swap3A_73 = vector.shape_cast %broadcast_in_dim3A_0 : vector<16xf32> to vector<1x16xf32>
      tpu.vector_store %arg8[%swap3A_69, %swap3A_70], %swap3A_73 {strides = array<i32>} : memref<128x144xf32, #tpu.memory_space<vmem>>, vector<1x16xf32>,
      %swap3A_74 = arith.index_cast %scan3A_58 : i32 to index
      %swap3A_75 = arith.constant 48 : index
      %swap3A_76 = tpu.vector_load %arg8[%swap3A_74, %swap3A_75] {strides = array<i32>} : memref<128x144xf32, #tpu.memory_space<vmem>>, vector<1x16xf32>,
      %swap3A_77 = vector.shape_cast %swap3A_76 : vector<1x16xf32> to vector<16xf32>
      %swap3A_78 = vector.shape_cast %broadcast_in_dim3A_0 : vector<16xf32> to vector<1x16xf32>
      tpu.vector_store %arg8[%swap3A_74, %swap3A_75], %swap3A_78 {strides = array<i32>} : memref<128x144xf32, #tpu.memory_space<vmem>>, vector<1x16xf32>,
      %swap3A_79 = arith.index_cast %scan3A_58 : i32 to index
      %swap3A_80 = arith.constant 64 : index
      %swap3A_81 = tpu.vector_load %arg8[%swap3A_79, %swap3A_80] {strides = array<i32>} : memref<128x144xf32, #tpu.memory_space<vmem>>, vector<1x16xf32>,
      %swap3A_82 = vector.shape_cast %swap3A_81 : vector<1x16xf32> to vector<16xf32>
      %swap3A_83 = vector.shape_cast %broadcast_in_dim3A_0 : vector<16xf32> to vector<1x16xf32>
      tpu.vector_store %arg8[%swap3A_79, %swap3A_80], %swap3A_83 {strides = array<i32>} : memref<128x144xf32, #tpu.memory_space<vmem>>, vector<1x16xf32>,
      %swap3A_84 = arith.index_cast %scan3A_58 : i32 to index
      %swap3A_85 = arith.constant 80 : index
      %swap3A_86 = tpu.vector_load %arg8[%swap3A_84, %swap3A_85] {strides = array<i32>} : memref<128x144xf32, #tpu.memory_space<vmem>>, vector<1x16xf32>,
      %swap3A_87 = vector.shape_cast %swap3A_86 : vector<1x16xf32> to vector<16xf32>
      %swap3A_88 = vector.shape_cast %broadcast_in_dim3A_0 : vector<16xf32> to vector<1x16xf32>
      tpu.vector_store %arg8[%swap3A_84, %swap3A_85], %swap3A_88 {strides = array<i32>} : memref<128x144xf32, #tpu.memory_space<vmem>>, vector<1x16xf32>,
      %swap3A_89 = arith.index_cast %scan3A_58 : i32 to index
      %swap3A_90 = arith.constant 96 : index
      %swap3A_91 = tpu.vector_load %arg8[%swap3A_89, %swap3A_90] {strides = array<i32>} : memref<128x144xf32, #tpu.memory_space<vmem>>, vector<1x16xf32>,
      %swap3A_92 = vector.shape_cast %swap3A_91 : vector<1x16xf32> to vector<16xf32>
      %swap3A_93 = vector.shape_cast %broadcast_in_dim3A_0 : vector<16xf32> to vector<1x16xf32>
      tpu.vector_store %arg8[%swap3A_89, %swap3A_90], %swap3A_93 {strides = array<i32>} : memref<128x144xf32, #tpu.memory_space<vmem>>, vector<1x16xf32>,
      %swap3A_94 = arith.index_cast %scan3A_58 : i32 to index
      %swap3A_95 = arith.constant 112 : index
      %swap3A_96 = tpu.vector_load %arg8[%swap3A_94, %swap3A_95] {strides = array<i32>} : memref<128x144xf32, #tpu.memory_space<vmem>>, vector<1x16xf32>,
      %swap3A_97 = vector.shape_cast %swap3A_96 : vector<1x16xf32> to vector<16xf32>
      %swap3A_98 = vector.shape_cast %broadcast_in_dim3A_0 : vector<16xf32> to vector<1x16xf32>
      tpu.vector_store %arg8[%swap3A_94, %swap3A_95], %swap3A_98 {strides = array<i32>} : memref<128x144xf32, #tpu.memory_space<vmem>>, vector<1x16xf32>,
      %swap3A_99 = arith.index_cast %scan3A_58 : i32 to index
      %swap3A_100 = arith.constant 128 : index
      %swap3A_101 = tpu.vector_load %arg8[%swap3A_99, %swap3A_100] {strides = array<i32>} : memref<128x144xf32, #tpu.memory_space<vmem>>, vector<1x16xf32>,
      %swap3A_102 = vector.shape_cast %swap3A_101 : vector<1x16xf32> to vector<16xf32>
      %swap3A_103 = vector.shape_cast %broadcast_in_dim3A_0 : vector<16xf32> to vector<1x16xf32>
      tpu.vector_store %arg8[%swap3A_99, %swap3A_100], %swap3A_103 {strides = array<i32>} : memref<128x144xf32, #tpu.memory_space<vmem>>, vector<1x16xf32>,
      %scan3A_104 = arith.constant 0 : i32
      scf.yield %scan3A_104 : i32
    }
    %scan3A_7 = arith.constant 128 : i32
    %add3A = arith.constant 0 : i32
    %add3A_8 = arith.addi %mul3A_1, %add3A : i32
    "tpu.region"() ({
      %run_scoped3A = tpu.sem_alloc : memref<!tpu.dma_semaphore, #tpu.memory_space<semaphore_mem>>
      %dma_start3A_58 = arith.constant 0 : i32
      %dma_start3A_59 = arith.constant 0 : i32
      %dma_start3A_60 = tpu.memref_slice %arg8[%dma_start3A_58, %dma_start3A_59] : memref<128x144xf32, #tpu.memory_space<vmem>> -> memref<128x144xf32, #tpu.memory_space<vmem>>
      %dma_start3A_61 = arith.constant 0 : i32
      %dma_start3A_62 = tpu.memref_slice %arg13[%add3A_8, %dma_start3A_61] : memref<10112x144xf32, #tpu.memory_space<vmem_shared>> -> memref<128x144xf32, #tpu.memory_space<vmem_shared>>
      %dma_start3A_63 = arith.constant 0 : i32
      %dma_start3A_64 = tpu.memref_slice %arg13[%add3A_8, %dma_start3A_63] : memref<10112x144xf32, #tpu.memory_space<vmem_shared>> -> memref<128x144xf32, #tpu.memory_space<vmem_shared>>
      %dma_start3A_65 = arith.constant 0 : i32
      %dma_start3A_66 = arith.constant 0 : i32
      %dma_start3A_67 = tpu.memref_slice %arg8[%dma_start3A_65, %dma_start3A_66] : memref<128x144xf32, #tpu.memory_space<vmem>> -> memref<128x144xf32, #tpu.memory_space<vmem>>
      tpu.enqueue_dma source(%dma_start3A_67 : memref<128x144xf32, #tpu.memory_space<vmem>>) target(%dma_start3A_64 : memref<128x144xf32, #tpu.memory_space<vmem_shared>>) target_semaphore(%run_scoped3A : memref<!tpu.dma_semaphore, #tpu.memory_space<semaphore_mem>>)
      %dma_wait3A = arith.constant 0 : i32
      %dma_wait3A_68 = arith.constant 0 : i32
      %dma_wait3A_69 = tpu.memref_slice %arg8[%dma_wait3A, %dma_wait3A_68] : memref<128x144xf32, #tpu.memory_space<vmem>> -> memref<128x144xf32, #tpu.memory_space<vmem>>
      %dma_wait3A_70 = arith.constant 0 : i32
      %dma_wait3A_71 = tpu.memref_slice %arg13[%add3A_8, %dma_wait3A_70] : memref<10112x144xf32, #tpu.memory_space<vmem_shared>> -> memref<128x144xf32, #tpu.memory_space<vmem_shared>>
      %dma_wait3A_72 = arith.constant 0 : i32
      %dma_wait3A_73 = tpu.memref_slice %arg13[%add3A_8, %dma_wait3A_72] : memref<10112x144xf32, #tpu.memory_space<vmem_shared>> -> memref<128x144xf32, #tpu.memory_space<vmem_shared>>
      %dma_wait3A_74 = arith.constant 0 : i32
      %dma_wait3A_75 = arith.constant 0 : i32
      %dma_wait3A_76 = tpu.memref_slice %arg8[%dma_wait3A_74, %dma_wait3A_75] : memref<128x144xf32, #tpu.memory_space<vmem>> -> memref<128x144xf32, #tpu.memory_space<vmem>>
      tpu.wait_dma2 semaphore(%run_scoped3A : memref<!tpu.dma_semaphore, #tpu.memory_space<semaphore_mem>>) src(%dma_wait3A_76 : memref<128x144xf32, #tpu.memory_space<vmem>>) dst(%dma_wait3A_73 : memref<128x144xf32, #tpu.memory_space<vmem_shared>>)
      tpu.yield
    }) : () -> ()
    %add3A_9 = arith.constant 128 : i32
    %add3A_10 = arith.addi %mul3A_1, %add3A_9 : i32
    "tpu.region"() ({
      %run_scoped3A = tpu.sem_alloc : memref<!tpu.dma_semaphore, #tpu.memory_space<semaphore_mem>>
      %dma_start3A_58 = arith.constant 0 : i32
      %dma_start3A_59 = arith.constant 0 : i32
      %dma_start3A_60 = tpu.memref_slice %arg8[%dma_start3A_58, %dma_start3A_59] : memref<128x144xf32, #tpu.memory_space<vmem>> -> memref<128x144xf32, #tpu.memory_space<vmem>>
      %dma_start3A_61 = arith.constant 0 : i32
      %dma_start3A_62 = tpu.memref_slice %arg13[%add3A_10, %dma_start3A_61] : memref<10112x144xf32, #tpu.memory_space<vmem_shared>> -> memref<128x144xf32, #tpu.memory_space<vmem_shared>>
      %dma_start3A_63 = arith.constant 0 : i32
      %dma_start3A_64 = tpu.memref_slice %arg13[%add3A_10, %dma_start3A_63] : memref<10112x144xf32, #tpu.memory_space<vmem_shared>> -> memref<128x144xf32, #tpu.memory_space<vmem_shared>>
      %dma_start3A_65 = arith.constant 0 : i32
      %dma_start3A_66 = arith.constant 0 : i32
      %dma_start3A_67 = tpu.memref_slice %arg8[%dma_start3A_65, %dma_start3A_66] : memref<128x144xf32, #tpu.memory_space<vmem>> -> memref<128x144xf32, #tpu.memory_space<vmem>>
      tpu.enqueue_dma source(%dma_start3A_67 : memref<128x144xf32, #tpu.memory_space<vmem>>) target(%dma_start3A_64 : memref<128x144xf32, #tpu.memory_space<vmem_shared>>) target_semaphore(%run_scoped3A : memref<!tpu.dma_semaphore, #tpu.memory_space<semaphore_mem>>)
      %dma_wait3A = arith.constant 0 : i32
      %dma_wait3A_68 = arith.constant 0 : i32
      %dma_wait3A_69 = tpu.memref_slice %arg8[%dma_wait3A, %dma_wait3A_68] : memref<128x144xf32, #tpu.memory_space<vmem>> -> memref<128x144xf32, #tpu.memory_space<vmem>>
      %dma_wait3A_70 = arith.constant 0 : i32
      %dma_wait3A_71 = tpu.memref_slice %arg13[%add3A_10, %dma_wait3A_70] : memref<10112x144xf32, #tpu.memory_space<vmem_shared>> -> memref<128x144xf32, #tpu.memory_space<vmem_shared>>
      %dma_wait3A_72 = arith.constant 0 : i32
      %dma_wait3A_73 = tpu.memref_slice %arg13[%add3A_10, %dma_wait3A_72] : memref<10112x144xf32, #tpu.memory_space<vmem_shared>> -> memref<128x144xf32, #tpu.memory_space<vmem_shared>>
      %dma_wait3A_74 = arith.constant 0 : i32
      %dma_wait3A_75 = arith.constant 0 : i32
      %dma_wait3A_76 = tpu.memref_slice %arg8[%dma_wait3A_74, %dma_wait3A_75] : memref<128x144xf32, #tpu.memory_space<vmem>> -> memref<128x144xf32, #tpu.memory_space<vmem>>
      tpu.wait_dma2 semaphore(%run_scoped3A : memref<!tpu.dma_semaphore, #tpu.memory_space<semaphore_mem>>) src(%dma_wait3A_76 : memref<128x144xf32, #tpu.memory_space<vmem>>) dst(%dma_wait3A_73 : memref<128x144xf32, #tpu.memory_space<vmem_shared>>)
      tpu.yield
    }) : () -> ()
    %add3A_11 = arith.constant 256 : i32
    %add3A_12 = arith.addi %mul3A_1, %add3A_11 : i32
    "tpu.region"() ({
      %run_scoped3A = tpu.sem_alloc : memref<!tpu.dma_semaphore, #tpu.memory_space<semaphore_mem>>
      %dma_start3A_58 = arith.constant 0 : i32
      %dma_start3A_59 = arith.constant 0 : i32
      %dma_start3A_60 = tpu.memref_slice %arg8[%dma_start3A_58, %dma_start3A_59] : memref<128x144xf32, #tpu.memory_space<vmem>> -> memref<128x144xf32, #tpu.memory_space<vmem>>
      %dma_start3A_61 = arith.constant 0 : i32
      %dma_start3A_62 = tpu.memref_slice %arg13[%add3A_12, %dma_start3A_61] : memref<10112x144xf32, #tpu.memory_space<vmem_shared>> -> memref<128x144xf32, #tpu.memory_space<vmem_shared>>
      %dma_start3A_63 = arith.constant 0 : i32
      %dma_start3A_64 = tpu.memref_slice %arg13[%add3A_12, %dma_start3A_63] : memref<10112x144xf32, #tpu.memory_space<vmem_shared>> -> memref<128x144xf32, #tpu.memory_space<vmem_shared>>
      %dma_start3A_65 = arith.constant 0 : i32
      %dma_start3A_66 = arith.constant 0 : i32
      %dma_start3A_67 = tpu.memref_slice %arg8[%dma_start3A_65, %dma_start3A_66] : memref<128x144xf32, #tpu.memory_space<vmem>> -> memref<128x144xf32, #tpu.memory_space<vmem>>
      tpu.enqueue_dma source(%dma_start3A_67 : memref<128x144xf32, #tpu.memory_space<vmem>>) target(%dma_start3A_64 : memref<128x144xf32, #tpu.memory_space<vmem_shared>>) target_semaphore(%run_scoped3A : memref<!tpu.dma_semaphore, #tpu.memory_space<semaphore_mem>>)
      %dma_wait3A = arith.constant 0 : i32
      %dma_wait3A_68 = arith.constant 0 : i32
      %dma_wait3A_69 = tpu.memref_slice %arg8[%dma_wait3A, %dma_wait3A_68] : memref<128x144xf32, #tpu.memory_space<vmem>> -> memref<128x144xf32, #tpu.memory_space<vmem>>
      %dma_wait3A_70 = arith.constant 0 : i32
      %dma_wait3A_71 = tpu.memref_slice %arg13[%add3A_12, %dma_wait3A_70] : memref<10112x144xf32, #tpu.memory_space<vmem_shared>> -> memref<128x144xf32, #tpu.memory_space<vmem_shared>>
      %dma_wait3A_72 = arith.constant 0 : i32
      %dma_wait3A_73 = tpu.memref_slice %arg13[%add3A_12, %dma_wait3A_72] : memref<10112x144xf32, #tpu.memory_space<vmem_shared>> -> memref<128x144xf32, #tpu.memory_space<vmem_shared>>
      %dma_wait3A_74 = arith.constant 0 : i32
      %dma_wait3A_75 = arith.constant 0 : i32
      %dma_wait3A_76 = tpu.memref_slice %arg8[%dma_wait3A_74, %dma_wait3A_75] : memref<128x144xf32, #tpu.memory_space<vmem>> -> memref<128x144xf32, #tpu.memory_space<vmem>>
      tpu.wait_dma2 semaphore(%run_scoped3A : memref<!tpu.dma_semaphore, #tpu.memory_space<semaphore_mem>>) src(%dma_wait3A_76 : memref<128x144xf32, #tpu.memory_space<vmem>>) dst(%dma_wait3A_73 : memref<128x144xf32, #tpu.memory_space<vmem_shared>>)
      tpu.yield
    }) : () -> ()
    %add3A_13 = arith.constant 384 : i32
    %add3A_14 = arith.addi %mul3A_1, %add3A_13 : i32
    "tpu.region"() ({
      %run_scoped3A = tpu.sem_alloc : memref<!tpu.dma_semaphore, #tpu.memory_space<semaphore_mem>>
      %dma_start3A_58 = arith.constant 0 : i32
      %dma_start3A_59 = arith.constant 0 : i32
      %dma_start3A_60 = tpu.memref_slice %arg8[%dma_start3A_58, %dma_start3A_59] : memref<128x144xf32, #tpu.memory_space<vmem>> -> memref<128x144xf32, #tpu.memory_space<vmem>>
      %dma_start3A_61 = arith.constant 0 : i32
      %dma_start3A_62 = tpu.memref_slice %arg13[%add3A_14, %dma_start3A_61] : memref<10112x144xf32, #tpu.memory_space<vmem_shared>> -> memref<128x144xf32, #tpu.memory_space<vmem_shared>>
      %dma_start3A_63 = arith.constant 0 : i32
      %dma_start3A_64 = tpu.memref_slice %arg13[%add3A_14, %dma_start3A_63] : memref<10112x144xf32, #tpu.memory_space<vmem_shared>> -> memref<128x144xf32, #tpu.memory_space<vmem_shared>>
      %dma_start3A_65 = arith.constant 0 : i32
      %dma_start3A_66 = arith.constant 0 : i32
      %dma_start3A_67 = tpu.memref_slice %arg8[%dma_start3A_65, %dma_start3A_66] : memref<128x144xf32, #tpu.memory_space<vmem>> -> memref<128x144xf32, #tpu.memory_space<vmem>>
      tpu.enqueue_dma source(%dma_start3A_67 : memref<128x144xf32, #tpu.memory_space<vmem>>) target(%dma_start3A_64 : memref<128x144xf32, #tpu.memory_space<vmem_shared>>) target_semaphore(%run_scoped3A : memref<!tpu.dma_semaphore, #tpu.memory_space<semaphore_mem>>)
      %dma_wait3A = arith.constant 0 : i32
      %dma_wait3A_68 = arith.constant 0 : i32
      %dma_wait3A_69 = tpu.memref_slice %arg8[%dma_wait3A, %dma_wait3A_68] : memref<128x144xf32, #tpu.memory_space<vmem>> -> memref<128x144xf32, #tpu.memory_space<vmem>>
      %dma_wait3A_70 = arith.constant 0 : i32
      %dma_wait3A_71 = tpu.memref_slice %arg13[%add3A_14, %dma_wait3A_70] : memref<10112x144xf32, #tpu.memory_space<vmem_shared>> -> memref<128x144xf32, #tpu.memory_space<vmem_shared>>
      %dma_wait3A_72 = arith.constant 0 : i32
      %dma_wait3A_73 = tpu.memref_slice %arg13[%add3A_14, %dma_wait3A_72] : memref<10112x144xf32, #tpu.memory_space<vmem_shared>> -> memref<128x144xf32, #tpu.memory_space<vmem_shared>>
      %dma_wait3A_74 = arith.constant 0 : i32
      %dma_wait3A_75 = arith.constant 0 : i32
      %dma_wait3A_76 = tpu.memref_slice %arg8[%dma_wait3A_74, %dma_wait3A_75] : memref<128x144xf32, #tpu.memory_space<vmem>> -> memref<128x144xf32, #tpu.memory_space<vmem>>
      tpu.wait_dma2 semaphore(%run_scoped3A : memref<!tpu.dma_semaphore, #tpu.memory_space<semaphore_mem>>) src(%dma_wait3A_76 : memref<128x144xf32, #tpu.memory_space<vmem>>) dst(%dma_wait3A_73 : memref<128x144xf32, #tpu.memory_space<vmem_shared>>)
      tpu.yield
    }) : () -> ()
    %add3A_15 = arith.constant 512 : i32
    %add3A_16 = arith.addi %mul3A_1, %add3A_15 : i32
    "tpu.region"() ({
      %run_scoped3A = tpu.sem_alloc : memref<!tpu.dma_semaphore, #tpu.memory_space<semaphore_mem>>
      %dma_start3A_58 = arith.constant 0 : i32
      %dma_start3A_59 = arith.constant 0 : i32
      %dma_start3A_60 = tpu.memref_slice %arg8[%dma_start3A_58, %dma_start3A_59] : memref<128x144xf32, #tpu.memory_space<vmem>> -> memref<120x144xf32, #tpu.memory_space<vmem>>
      %dma_start3A_61 = arith.constant 0 : i32
      %dma_start3A_62 = tpu.memref_slice %arg13[%add3A_16, %dma_start3A_61] : memref<10112x144xf32, #tpu.memory_space<vmem_shared>> -> memref<120x144xf32, #tpu.memory_space<vmem_shared>>
      %dma_start3A_63 = arith.constant 0 : i32
      %dma_start3A_64 = tpu.memref_slice %arg13[%add3A_16, %dma_start3A_63] : memref<10112x144xf32, #tpu.memory_space<vmem_shared>> -> memref<120x144xf32, #tpu.memory_space<vmem_shared>>
      %dma_start3A_65 = arith.constant 0 : i32
      %dma_start3A_66 = arith.constant 0 : i32
      %dma_start3A_67 = tpu.memref_slice %arg8[%dma_start3A_65, %dma_start3A_66] : memref<128x144xf32, #tpu.memory_space<vmem>> -> memref<120x144xf32, #tpu.memory_space<vmem>>
      tpu.enqueue_dma source(%dma_start3A_67 : memref<120x144xf32, #tpu.memory_space<vmem>>) target(%dma_start3A_64 : memref<120x144xf32, #tpu.memory_space<vmem_shared>>) target_semaphore(%run_scoped3A : memref<!tpu.dma_semaphore, #tpu.memory_space<semaphore_mem>>)
      %dma_wait3A = arith.constant 0 : i32
      %dma_wait3A_68 = arith.constant 0 : i32
      %dma_wait3A_69 = tpu.memref_slice %arg8[%dma_wait3A, %dma_wait3A_68] : memref<128x144xf32, #tpu.memory_space<vmem>> -> memref<120x144xf32, #tpu.memory_space<vmem>>
      %dma_wait3A_70 = arith.constant 0 : i32
      %dma_wait3A_71 = tpu.memref_slice %arg13[%add3A_16, %dma_wait3A_70] : memref<10112x144xf32, #tpu.memory_space<vmem_shared>> -> memref<120x144xf32, #tpu.memory_space<vmem_shared>>
      %dma_wait3A_72 = arith.constant 0 : i32
      %dma_wait3A_73 = tpu.memref_slice %arg13[%add3A_16, %dma_wait3A_72] : memref<10112x144xf32, #tpu.memory_space<vmem_shared>> -> memref<120x144xf32, #tpu.memory_space<vmem_shared>>
      %dma_wait3A_74 = arith.constant 0 : i32
      %dma_wait3A_75 = arith.constant 0 : i32
      %dma_wait3A_76 = tpu.memref_slice %arg8[%dma_wait3A_74, %dma_wait3A_75] : memref<128x144xf32, #tpu.memory_space<vmem>> -> memref<120x144xf32, #tpu.memory_space<vmem>>
      tpu.wait_dma2 semaphore(%run_scoped3A : memref<!tpu.dma_semaphore, #tpu.memory_space<semaphore_mem>>) src(%dma_wait3A_76 : memref<120x144xf32, #tpu.memory_space<vmem>>) dst(%dma_wait3A_73 : memref<120x144xf32, #tpu.memory_space<vmem_shared>>)
      tpu.yield
    }) : () -> ()
    %barrier3A = arith.constant 0 : index
    tpu.barrier barrier_id(%barrier3A)
    "tpu.region"() ({
      %run_scoped3A = tpu.sem_alloc : memref<!tpu.dma_semaphore, #tpu.memory_space<semaphore_mem>>
      %dma_start3A_58 = arith.constant 0 : i32
      %dma_start3A_59 = arith.constant 0 : i32
      %dma_start3A_60 = tpu.memref_slice %arg6[%dma_start3A_58, %dma_start3A_59] : memref<16x128xi32, #tpu.memory_space<vmem>> -> memref<8x128xi32, #tpu.memory_space<vmem>>
      %dma_start3A_61 = arith.constant 0 : i32
      %dma_start3A_62 = arith.constant 0 : i32
      %dma_start3A_63 = tpu.memref_slice %arg3[%arg0, %arg1, %dma_start3A_61, %dma_start3A_62] : memref<2x16x80x128xi32, #tpu.memory_space<hbm>> -> memref<1x1x8x128xi32, #tpu.memory_space<hbm>>
      %dma_start3A_64 = tpu.memref_squeeze %dma_start3A_63 : memref<1x1x8x128xi32, #tpu.memory_space<hbm>> -> memref<8x128xi32, #tpu.memory_space<hbm>>
      %dma_start3A_65 = arith.constant 0 : i32
      %dma_start3A_66 = arith.constant 0 : i32
      %dma_start3A_67 = tpu.memref_slice %arg6[%dma_start3A_65, %dma_start3A_66] : memref<16x128xi32, #tpu.memory_space<vmem>> -> memref<8x128xi32, #tpu.memory_space<vmem>>
      %dma_start3A_68 = arith.constant 0 : i32
      %dma_start3A_69 = arith.constant 0 : i32
      %dma_start3A_70 = tpu.memref_slice %arg3[%arg0, %arg1, %dma_start3A_68, %dma_start3A_69] : memref<2x16x80x128xi32, #tpu.memory_space<hbm>> -> memref<1x1x8x128xi32, #tpu.memory_space<hbm>>
      %dma_start3A_71 = tpu.memref_squeeze %dma_start3A_70 : memref<1x1x8x128xi32, #tpu.memory_space<hbm>> -> memref<8x128xi32, #tpu.memory_space<hbm>>
      tpu.enqueue_dma source(%dma_start3A_71 : memref<8x128xi32, #tpu.memory_space<hbm>>) target(%dma_start3A_67 : memref<8x128xi32, #tpu.memory_space<vmem>>) target_semaphore(%run_scoped3A : memref<!tpu.dma_semaphore, #tpu.memory_space<semaphore_mem>>)
      %dma_wait3A = arith.constant 0 : i32
      %dma_wait3A_72 = arith.constant 0 : i32
      %dma_wait3A_73 = tpu.memref_slice %arg6[%dma_wait3A, %dma_wait3A_72] : memref<16x128xi32, #tpu.memory_space<vmem>> -> memref<8x128xi32, #tpu.memory_space<vmem>>
      %dma_wait3A_74 = arith.constant 0 : i32
      %dma_wait3A_75 = arith.constant 0 : i32
      %dma_wait3A_76 = tpu.memref_slice %arg3[%arg0, %arg1, %dma_wait3A_74, %dma_wait3A_75] : memref<2x16x80x128xi32, #tpu.memory_space<hbm>> -> memref<1x1x8x128xi32, #tpu.memory_space<hbm>>
      %dma_wait3A_77 = tpu.memref_squeeze %dma_wait3A_76 : memref<1x1x8x128xi32, #tpu.memory_space<hbm>> -> memref<8x128xi32, #tpu.memory_space<hbm>>
      %dma_wait3A_78 = arith.constant 0 : i32
      %dma_wait3A_79 = arith.constant 0 : i32
      %dma_wait3A_80 = tpu.memref_slice %arg6[%dma_wait3A_78, %dma_wait3A_79] : memref<16x128xi32, #tpu.memory_space<vmem>> -> memref<8x128xi32, #tpu.memory_space<vmem>>
      %dma_wait3A_81 = arith.constant 0 : i32
      %dma_wait3A_82 = arith.constant 0 : i32
      %dma_wait3A_83 = tpu.memref_slice %arg3[%arg0, %arg1, %dma_wait3A_81, %dma_wait3A_82] : memref<2x16x80x128xi32, #tpu.memory_space<hbm>> -> memref<1x1x8x128xi32, #tpu.memory_space<hbm>>
      %dma_wait3A_84 = tpu.memref_squeeze %dma_wait3A_83 : memref<1x1x8x128xi32, #tpu.memory_space<hbm>> -> memref<8x128xi32, #tpu.memory_space<hbm>>
      tpu.wait_dma2 semaphore(%run_scoped3A : memref<!tpu.dma_semaphore, #tpu.memory_space<semaphore_mem>>) src(%dma_wait3A_84 : memref<8x128xi32, #tpu.memory_space<hbm>>) dst(%dma_wait3A_80 : memref<8x128xi32, #tpu.memory_space<vmem>>)
      tpu.yield
    }) : () -> ()
    %dma_start3A = arith.constant 0 : i32
    %dma_start3A_17 = arith.constant 0 : i32
    %dma_start3A_18 = tpu.memref_slice %arg6[%dma_start3A, %dma_start3A_17] : memref<16x128xi32, #tpu.memory_space<vmem>> -> memref<1x128xi32, #tpu.memory_space<vmem>>
    %dma_start3A_19 = tpu.memref_squeeze %dma_start3A_18 : memref<1x128xi32, #tpu.memory_space<vmem>> -> memref<128xi32, #tpu.memory_space<vmem>>
    %dma_start3A_20 = arith.constant 0 : i32
    %dma_start3A_21 = arith.constant 0 : i32
    %dma_start3A_22 = tpu.memref_slice %arg2[%dma_start3A_20, %dma_start3A_21] : memref<10000x144xf32, #tpu.memory_space<hbm>> -> memref<10000x144xf32, #tpu.memory_space<hbm>>
    tpu.enqueue_indirect_dma source(%dma_start3A_22 : memref<10000x144xf32, #tpu.memory_space<hbm>>) target(%arg8 : memref<128x144xf32, #tpu.memory_space<vmem>>) offsets(%dma_start3A_19 : memref<128xi32, #tpu.memory_space<vmem>>) semaphore(%arg10 : memref<!tpu.dma_semaphore, #tpu.memory_space<semaphore_mem>>)
    %dma_start3A_23 = arith.constant 1 : i32
    %dma_start3A_24 = arith.constant 0 : i32
    %dma_start3A_25 = tpu.memref_slice %arg6[%dma_start3A_23, %dma_start3A_24] : memref<16x128xi32, #tpu.memory_space<vmem>> -> memref<1x128xi32, #tpu.memory_space<vmem>>
    %dma_start3A_26 = tpu.memref_squeeze %dma_start3A_25 : memref<1x128xi32, #tpu.memory_space<vmem>> -> memref<128xi32, #tpu.memory_space<vmem>>
    %dma_start3A_27 = arith.constant 0 : i32
    %dma_start3A_28 = arith.constant 0 : i32
    %dma_start3A_29 = tpu.memref_slice %arg2[%dma_start3A_27, %dma_start3A_28] : memref<10000x144xf32, #tpu.memory_space<hbm>> -> memref<10000x144xf32, #tpu.memory_space<hbm>>
    tpu.enqueue_indirect_dma source(%dma_start3A_29 : memref<10000x144xf32, #tpu.memory_space<hbm>>) target(%arg9 : memref<128x144xf32, #tpu.memory_space<vmem>>) offsets(%dma_start3A_26 : memref<128xi32, #tpu.memory_space<vmem>>) semaphore(%arg11 : memref<!tpu.dma_semaphore, #tpu.memory_space<semaphore_mem>>)
    %scan3A_30 = arith.constant 0 : i32
    %scan3A_31 = arith.constant 0 : i32
    %scan3A_32 = arith.constant 10 : i32
    %scan3A_33 = arith.addi %scan3A_31, %scan3A_32 : i32
    %scan3A_34 = arith.constant 1 : i32
    %scan3A_35 = scf.for %scan3A_58 = %scan3A_31 to %scan3A_33 step %scan3A_34 iter_args(%scan3A_59 = %scan3A_30) -> (i32)  : i32 {
      %rem3A = arith.constant 2 : i32
      %rem3A_60 = arith.remsi %scan3A_58, %rem3A : i32
      %mul3A_61 = arith.constant 8 : i32
      %mul3A_62 = arith.muli %rem3A_60, %mul3A_61 : i32
      %sub3A = arith.constant 8 : i32
      %sub3A_63 = arith.subi %sub3A, %mul3A_62 : i32
      %mul3A_64 = arith.constant 8 : i32
      %mul3A_65 = arith.muli %scan3A_58, %mul3A_64 : i32
      "tpu.region"() ({
        %run_scoped3A_214 = tpu.sem_alloc : memref<!tpu.dma_semaphore, #tpu.memory_space<semaphore_mem>>
        %dma_start3A_215 = arith.constant 0 : i32
        %dma_start3A_216 = tpu.memref_slice %arg4[%arg0, %arg1, %mul3A_65, %dma_start3A_215] : memref<2x16x80x128xi32, #tpu.memory_space<hbm>> -> memref<1x1x8x128xi32, #tpu.memory_space<hbm>>
        %dma_start3A_217 = tpu.memref_squeeze %dma_start3A_216 : memref<1x1x8x128xi32, #tpu.memory_space<hbm>> -> memref<8x128xi32, #tpu.memory_space<hbm>>
        %dma_start3A_218 = arith.constant 0 : i32
        %dma_start3A_219 = tpu.memref_slice %arg4[%arg0, %arg1, %mul3A_65, %dma_start3A_218] : memref<2x16x80x128xi32, #tpu.memory_space<hbm>> -> memref<1x1x8x128xi32, #tpu.memory_space<hbm>>
        %dma_start3A_220 = tpu.memref_squeeze %dma_start3A_219 : memref<1x1x8x128xi32, #tpu.memory_space<hbm>> -> memref<8x128xi32, #tpu.memory_space<hbm>>
        tpu.enqueue_dma source(%dma_start3A_220 : memref<8x128xi32, #tpu.memory_space<hbm>>) target(%arg7 : memref<8x128xi32, #tpu.memory_space<vmem>>) target_semaphore(%run_scoped3A_214 : memref<!tpu.dma_semaphore, #tpu.memory_space<semaphore_mem>>)
        %dma_wait3A_221 = arith.constant 0 : i32
        %dma_wait3A_222 = tpu.memref_slice %arg4[%arg0, %arg1, %mul3A_65, %dma_wait3A_221] : memref<2x16x80x128xi32, #tpu.memory_space<hbm>> -> memref<1x1x8x128xi32, #tpu.memory_space<hbm>>
        %dma_wait3A_223 = tpu.memref_squeeze %dma_wait3A_222 : memref<1x1x8x128xi32, #tpu.memory_space<hbm>> -> memref<8x128xi32, #tpu.memory_space<hbm>>
        %dma_wait3A_224 = arith.constant 0 : i32
        %dma_wait3A_225 = tpu.memref_slice %arg4[%arg0, %arg1, %mul3A_65, %dma_wait3A_224] : memref<2x16x80x128xi32, #tpu.memory_space<hbm>> -> memref<1x1x8x128xi32, #tpu.memory_space<hbm>>
        %dma_wait3A_226 = tpu.memref_squeeze %dma_wait3A_225 : memref<1x1x8x128xi32, #tpu.memory_space<hbm>> -> memref<8x128xi32, #tpu.memory_space<hbm>>
        tpu.wait_dma2 semaphore(%run_scoped3A_214 : memref<!tpu.dma_semaphore, #tpu.memory_space<semaphore_mem>>) src(%dma_wait3A_226 : memref<8x128xi32, #tpu.memory_space<hbm>>) dst(%arg7 : memref<8x128xi32, #tpu.memory_space<vmem>>)
        tpu.yield
      }) : () -> ()
      %lt3A = arith.constant 9 : i32
      %lt3A_66 = arith.cmpi slt, %scan3A_58, %lt3A : i32
      %convert_element_type3A = arith.extui %lt3A_66 : i1 to i32
      %cond3A = arith.constant 0 : i32
      %cond3A_67 = arith.cmpi ne, %convert_element_type3A, %cond3A : i32
      scf.if %cond3A_67 {
        %add3A_214 = arith.constant 1 : i32
        %add3A_215 = arith.addi %scan3A_58, %add3A_214 : i32
        %mul3A_216 = arith.constant 8 : i32
        %mul3A_217 = arith.muli %add3A_215, %mul3A_216 : i32
        %dma_start3A_218 = arith.constant 0 : i32
        %dma_start3A_219 = tpu.memref_slice %arg6[%sub3A_63, %dma_start3A_218] : memref<16x128xi32, #tpu.memory_space<vmem>> -> memref<8x128xi32, #tpu.memory_space<vmem>>
        %dma_start3A_220 = arith.constant 0 : i32
        %dma_start3A_221 = tpu.memref_slice %arg3[%arg0, %arg1, %mul3A_217, %dma_start3A_220] : memref<2x16x80x128xi32, #tpu.memory_space<hbm>> -> memref<1x1x8x128xi32, #tpu.memory_space<hbm>>
        %dma_start3A_222 = tpu.memref_squeeze %dma_start3A_221 : memref<1x1x8x128xi32, #tpu.memory_space<hbm>> -> memref<8x128xi32, #tpu.memory_space<hbm>>
        %dma_start3A_223 = arith.constant 0 : i32
        %dma_start3A_224 = tpu.memref_slice %arg6[%sub3A_63, %dma_start3A_223] : memref<16x128xi32, #tpu.memory_space<vmem>> -> memref<8x128xi32, #tpu.memory_space<vmem>>
        %dma_start3A_225 = arith.constant 0 : i32
        %dma_start3A_226 = tpu.memref_slice %arg3[%arg0, %arg1, %mul3A_217, %dma_start3A_225] : memref<2x16x80x128xi32, #tpu.memory_space<hbm>> -> memref<1x1x8x128xi32, #tpu.memory_space<hbm>>
        %dma_start3A_227 = tpu.memref_squeeze %dma_start3A_226 : memref<1x1x8x128xi32, #tpu.memory_space<hbm>> -> memref<8x128xi32, #tpu.memory_space<hbm>>
        tpu.enqueue_dma source(%dma_start3A_227 : memref<8x128xi32, #tpu.memory_space<hbm>>) target(%dma_start3A_224 : memref<8x128xi32, #tpu.memory_space<vmem>>) target_semaphore(%arg12 : memref<!tpu.dma_semaphore, #tpu.memory_space<semaphore_mem>>)
      } else {
      }
      %add3A_68 = arith.constant 0 : i32
      %add3A_69 = arith.addi %mul3A_62, %add3A_68 : i32
      %dma_wait3A = arith.constant 0 : i32
      %dma_wait3A_70 = tpu.memref_slice %arg6[%add3A_69, %dma_wait3A] : memref<16x128xi32, #tpu.memory_space<vmem>> -> memref<1x128xi32, #tpu.memory_space<vmem>>
      %dma_wait3A_71 = tpu.memref_squeeze %dma_wait3A_70 : memref<1x128xi32, #tpu.memory_space<vmem>> -> memref<128xi32, #tpu.memory_space<vmem>>
      %dma_wait3A_72 = arith.constant 0 : i32
      %dma_wait3A_73 = arith.constant 0 : i32
      %dma_wait3A_74 = tpu.memref_slice %arg2[%dma_wait3A_72, %dma_wait3A_73] : memref<10000x144xf32, #tpu.memory_space<hbm>> -> memref<10000x144xf32, #tpu.memory_space<hbm>>
      tpu.wait_indirect_dma semaphore(%arg10 : memref<!tpu.dma_semaphore, #tpu.memory_space<semaphore_mem>>) src(%dma_wait3A_74 : memref<10000x144xf32, #tpu.memory_space<hbm>>) dst(%arg8 : memref<128x144xf32, #tpu.memory_space<vmem>>)
      %run_scoped3A = arith.constant 0 : i32
      "tpu.region"() ({
        %run_scoped3A_214 = tpu.sem_alloc : memref<!tpu.dma_semaphore, #tpu.memory_space<semaphore_mem>>
        %dma_start3A_215 = arith.constant 0 : i32
        %dma_start3A_216 = tpu.memref_slice %arg7[%run_scoped3A, %dma_start3A_215] : memref<8x128xi32, #tpu.memory_space<vmem>> -> memref<1x128xi32, #tpu.memory_space<vmem>>
        %dma_start3A_217 = tpu.memref_squeeze %dma_start3A_216 : memref<1x128xi32, #tpu.memory_space<vmem>> -> memref<128xi32, #tpu.memory_space<vmem>>
        %dma_start3A_218 = arith.constant 0 : i32
        %dma_start3A_219 = arith.constant 0 : i32
        %dma_start3A_220 = tpu.memref_slice %arg13[%dma_start3A_218, %dma_start3A_219] : memref<10112x144xf32, #tpu.memory_space<vmem_shared>> -> memref<10112x144xf32, #tpu.memory_space<vmem_shared>>
        tpu.enqueue_indirect_dma source(%arg8 : memref<128x144xf32, #tpu.memory_space<vmem>>) target(%dma_start3A_220 : memref<10112x144xf32, #tpu.memory_space<vmem_shared>>) offsets(%dma_start3A_217 : memref<128xi32, #tpu.memory_space<vmem>>) semaphore(%run_scoped3A_214 : memref<!tpu.dma_semaphore, #tpu.memory_space<semaphore_mem>>) {add = true}
        %dma_wait3A_221 = arith.constant 0 : i32
        %dma_wait3A_222 = tpu.memref_slice %arg7[%run_scoped3A, %dma_wait3A_221] : memref<8x128xi32, #tpu.memory_space<vmem>> -> memref<1x128xi32, #tpu.memory_space<vmem>>
        %dma_wait3A_223 = tpu.memref_squeeze %dma_wait3A_222 : memref<1x128xi32, #tpu.memory_space<vmem>> -> memref<128xi32, #tpu.memory_space<vmem>>
        %dma_wait3A_224 = arith.constant 0 : i32
        %dma_wait3A_225 = arith.constant 0 : i32
        %dma_wait3A_226 = tpu.memref_slice %arg13[%dma_wait3A_224, %dma_wait3A_225] : memref<10112x144xf32, #tpu.memory_space<vmem_shared>> -> memref<10112x144xf32, #tpu.memory_space<vmem_shared>>
        tpu.wait_indirect_dma semaphore(%run_scoped3A_214 : memref<!tpu.dma_semaphore, #tpu.memory_space<semaphore_mem>>) src(%arg8 : memref<128x144xf32, #tpu.memory_space<vmem>>) dst(%dma_wait3A_226 : memref<10112x144xf32, #tpu.memory_space<vmem_shared>>)
        tpu.yield
      }) : () -> ()
      %add3A_75 = arith.constant 0 : i32
      %add3A_76 = arith.addi %mul3A_62, %add3A_75 : i32
      %add3A_77 = arith.constant 2 : i32
      %add3A_78 = arith.addi %add3A_76, %add3A_77 : i32
      %dma_start3A_79 = arith.constant 0 : i32
      %dma_start3A_80 = tpu.memref_slice %arg6[%add3A_78, %dma_start3A_79] : memref<16x128xi32, #tpu.memory_space<vmem>> -> memref<1x128xi32, #tpu.memory_space<vmem>>
      %dma_start3A_81 = tpu.memref_squeeze %dma_start3A_80 : memref<1x128xi32, #tpu.memory_space<vmem>> -> memref<128xi32, #tpu.memory_space<vmem>>
      %dma_start3A_82 = arith.constant 0 : i32
      %dma_start3A_83 = arith.constant 0 : i32
      %dma_start3A_84 = tpu.memref_slice %arg2[%dma_start3A_82, %dma_start3A_83] : memref<10000x144xf32, #tpu.memory_space<hbm>> -> memref<10000x144xf32, #tpu.memory_space<hbm>>
      tpu.enqueue_indirect_dma source(%dma_start3A_84 : memref<10000x144xf32, #tpu.memory_space<hbm>>) target(%arg8 : memref<128x144xf32, #tpu.memory_space<vmem>>) offsets(%dma_start3A_81 : memref<128xi32, #tpu.memory_space<vmem>>) semaphore(%arg10 : memref<!tpu.dma_semaphore, #tpu.memory_space<semaphore_mem>>)
      %add3A_85 = arith.constant 1 : i32
      %add3A_86 = arith.addi %mul3A_62, %add3A_85 : i32
      %dma_wait3A_87 = arith.constant 0 : i32
      %dma_wait3A_88 = tpu.memref_slice %arg6[%add3A_86, %dma_wait3A_87] : memref<16x128xi32, #tpu.memory_space<vmem>> -> memref<1x128xi32, #tpu.memory_space<vmem>>
      %dma_wait3A_89 = tpu.memref_squeeze %dma_wait3A_88 : memref<1x128xi32, #tpu.memory_space<vmem>> -> memref<128xi32, #tpu.memory_space<vmem>>
      %dma_wait3A_90 = arith.constant 0 : i32
      %dma_wait3A_91 = arith.constant 0 : i32
      %dma_wait3A_92 = tpu.memref_slice %arg2[%dma_wait3A_90, %dma_wait3A_91] : memref<10000x144xf32, #tpu.memory_space<hbm>> -> memref<10000x144xf32, #tpu.memory_space<hbm>>
      tpu.wait_indirect_dma semaphore(%arg11 : memref<!tpu.dma_semaphore, #tpu.memory_space<semaphore_mem>>) src(%dma_wait3A_92 : memref<10000x144xf32, #tpu.memory_space<hbm>>) dst(%arg9 : memref<128x144xf32, #tpu.memory_space<vmem>>)
      %run_scoped3A_93 = arith.constant 1 : i32
      "tpu.region"() ({
        %run_scoped3A_214 = tpu.sem_alloc : memref<!tpu.dma_semaphore, #tpu.memory_space<semaphore_mem>>
        %dma_start3A_215 = arith.constant 0 : i32
        %dma_start3A_216 = tpu.memref_slice %arg7[%run_scoped3A_93, %dma_start3A_215] : memref<8x128xi32, #tpu.memory_space<vmem>> -> memref<1x128xi32, #tpu.memory_space<vmem>>
        %dma_start3A_217 = tpu.memref_squeeze %dma_start3A_216 : memref<1x128xi32, #tpu.memory_space<vmem>> -> memref<128xi32, #tpu.memory_space<vmem>>
        %dma_start3A_218 = arith.constant 0 : i32
        %dma_start3A_219 = arith.constant 0 : i32
        %dma_start3A_220 = tpu.memref_slice %arg13[%dma_start3A_218, %dma_start3A_219] : memref<10112x144xf32, #tpu.memory_space<vmem_shared>> -> memref<10112x144xf32, #tpu.memory_space<vmem_shared>>
        tpu.enqueue_indirect_dma source(%arg9 : memref<128x144xf32, #tpu.memory_space<vmem>>) target(%dma_start3A_220 : memref<10112x144xf32, #tpu.memory_space<vmem_shared>>) offsets(%dma_start3A_217 : memref<128xi32, #tpu.memory_space<vmem>>) semaphore(%run_scoped3A_214 : memref<!tpu.dma_semaphore, #tpu.memory_space<semaphore_mem>>) {add = true}
        %dma_wait3A_221 = arith.constant 0 : i32
        %dma_wait3A_222 = tpu.memref_slice %arg7[%run_scoped3A_93, %dma_wait3A_221] : memref<8x128xi32, #tpu.memory_space<vmem>> -> memref<1x128xi32, #tpu.memory_space<vmem>>
        %dma_wait3A_223 = tpu.memref_squeeze %dma_wait3A_222 : memref<1x128xi32, #tpu.memory_space<vmem>> -> memref<128xi32, #tpu.memory_space<vmem>>
        %dma_wait3A_224 = arith.constant 0 : i32
        %dma_wait3A_225 = arith.constant 0 : i32
        %dma_wait3A_226 = tpu.memref_slice %arg13[%dma_wait3A_224, %dma_wait3A_225] : memref<10112x144xf32, #tpu.memory_space<vmem_shared>> -> memref<10112x144xf32, #tpu.memory_space<vmem_shared>>
        tpu.wait_indirect_dma semaphore(%run_scoped3A_214 : memref<!tpu.dma_semaphore, #tpu.memory_space<semaphore_mem>>) src(%arg9 : memref<128x144xf32, #tpu.memory_space<vmem>>) dst(%dma_wait3A_226 : memref<10112x144xf32, #tpu.memory_space<vmem_shared>>)
        tpu.yield
      }) : () -> ()
      %add3A_94 = arith.constant 1 : i32
      %add3A_95 = arith.addi %mul3A_62, %add3A_94 : i32
      %add3A_96 = arith.constant 2 : i32
      %add3A_97 = arith.addi %add3A_95, %add3A_96 : i32
      %dma_start3A_98 = arith.constant 0 : i32
      %dma_start3A_99 = tpu.memref_slice %arg6[%add3A_97, %dma_start3A_98] : memref<16x128xi32, #tpu.memory_space<vmem>> -> memref<1x128xi32, #tpu.memory_space<vmem>>
      %dma_start3A_100 = tpu.memref_squeeze %dma_start3A_99 : memref<1x128xi32, #tpu.memory_space<vmem>> -> memref<128xi32, #tpu.memory_space<vmem>>
      %dma_start3A_101 = arith.constant 0 : i32
      %dma_start3A_102 = arith.constant 0 : i32
      %dma_start3A_103 = tpu.memref_slice %arg2[%dma_start3A_101, %dma_start3A_102] : memref<10000x144xf32, #tpu.memory_space<hbm>> -> memref<10000x144xf32, #tpu.memory_space<hbm>>
      tpu.enqueue_indirect_dma source(%dma_start3A_103 : memref<10000x144xf32, #tpu.memory_space<hbm>>) target(%arg9 : memref<128x144xf32, #tpu.memory_space<vmem>>) offsets(%dma_start3A_100 : memref<128xi32, #tpu.memory_space<vmem>>) semaphore(%arg11 : memref<!tpu.dma_semaphore, #tpu.memory_space<semaphore_mem>>)
      %add3A_104 = arith.constant 2 : i32
      %add3A_105 = arith.addi %mul3A_62, %add3A_104 : i32
      %dma_wait3A_106 = arith.constant 0 : i32
      %dma_wait3A_107 = tpu.memref_slice %arg6[%add3A_105, %dma_wait3A_106] : memref<16x128xi32, #tpu.memory_space<vmem>> -> memref<1x128xi32, #tpu.memory_space<vmem>>
      %dma_wait3A_108 = tpu.memref_squeeze %dma_wait3A_107 : memref<1x128xi32, #tpu.memory_space<vmem>> -> memref<128xi32, #tpu.memory_space<vmem>>
      %dma_wait3A_109 = arith.constant 0 : i32
      %dma_wait3A_110 = arith.constant 0 : i32
      %dma_wait3A_111 = tpu.memref_slice %arg2[%dma_wait3A_109, %dma_wait3A_110] : memref<10000x144xf32, #tpu.memory_space<hbm>> -> memref<10000x144xf32, #tpu.memory_space<hbm>>
      tpu.wait_indirect_dma semaphore(%arg10 : memref<!tpu.dma_semaphore, #tpu.memory_space<semaphore_mem>>) src(%dma_wait3A_111 : memref<10000x144xf32, #tpu.memory_space<hbm>>) dst(%arg8 : memref<128x144xf32, #tpu.memory_space<vmem>>)
      %run_scoped3A_112 = arith.constant 2 : i32
      "tpu.region"() ({
        %run_scoped3A_214 = tpu.sem_alloc : memref<!tpu.dma_semaphore, #tpu.memory_space<semaphore_mem>>
        %dma_start3A_215 = arith.constant 0 : i32
        %dma_start3A_216 = tpu.memref_slice %arg7[%run_scoped3A_112, %dma_start3A_215] : memref<8x128xi32, #tpu.memory_space<vmem>> -> memref<1x128xi32, #tpu.memory_space<vmem>>
        %dma_start3A_217 = tpu.memref_squeeze %dma_start3A_216 : memref<1x128xi32, #tpu.memory_space<vmem>> -> memref<128xi32, #tpu.memory_space<vmem>>
        %dma_start3A_218 = arith.constant 0 : i32
        %dma_start3A_219 = arith.constant 0 : i32
        %dma_start3A_220 = tpu.memref_slice %arg13[%dma_start3A_218, %dma_start3A_219] : memref<10112x144xf32, #tpu.memory_space<vmem_shared>> -> memref<10112x144xf32, #tpu.memory_space<vmem_shared>>
        tpu.enqueue_indirect_dma source(%arg8 : memref<128x144xf32, #tpu.memory_space<vmem>>) target(%dma_start3A_220 : memref<10112x144xf32, #tpu.memory_space<vmem_shared>>) offsets(%dma_start3A_217 : memref<128xi32, #tpu.memory_space<vmem>>) semaphore(%run_scoped3A_214 : memref<!tpu.dma_semaphore, #tpu.memory_space<semaphore_mem>>) {add = true}
        %dma_wait3A_221 = arith.constant 0 : i32
        %dma_wait3A_222 = tpu.memref_slice %arg7[%run_scoped3A_112, %dma_wait3A_221] : memref<8x128xi32, #tpu.memory_space<vmem>> -> memref<1x128xi32, #tpu.memory_space<vmem>>
        %dma_wait3A_223 = tpu.memref_squeeze %dma_wait3A_222 : memref<1x128xi32, #tpu.memory_space<vmem>> -> memref<128xi32, #tpu.memory_space<vmem>>
        %dma_wait3A_224 = arith.constant 0 : i32
        %dma_wait3A_225 = arith.constant 0 : i32
        %dma_wait3A_226 = tpu.memref_slice %arg13[%dma_wait3A_224, %dma_wait3A_225] : memref<10112x144xf32, #tpu.memory_space<vmem_shared>> -> memref<10112x144xf32, #tpu.memory_space<vmem_shared>>
        tpu.wait_indirect_dma semaphore(%run_scoped3A_214 : memref<!tpu.dma_semaphore, #tpu.memory_space<semaphore_mem>>) src(%arg8 : memref<128x144xf32, #tpu.memory_space<vmem>>) dst(%dma_wait3A_226 : memref<10112x144xf32, #tpu.memory_space<vmem_shared>>)
        tpu.yield
      }) : () -> ()
      %add3A_113 = arith.constant 2 : i32
      %add3A_114 = arith.addi %mul3A_62, %add3A_113 : i32
      %add3A_115 = arith.constant 2 : i32
      %add3A_116 = arith.addi %add3A_114, %add3A_115 : i32
      %dma_start3A_117 = arith.constant 0 : i32
      %dma_start3A_118 = tpu.memref_slice %arg6[%add3A_116, %dma_start3A_117] : memref<16x128xi32, #tpu.memory_space<vmem>> -> memref<1x128xi32, #tpu.memory_space<vmem>>
      %dma_start3A_119 = tpu.memref_squeeze %dma_start3A_118 : memref<1x128xi32, #tpu.memory_space<vmem>> -> memref<128xi32, #tpu.memory_space<vmem>>
      %dma_start3A_120 = arith.constant 0 : i32
      %dma_start3A_121 = arith.constant 0 : i32
      %dma_start3A_122 = tpu.memref_slice %arg2[%dma_start3A_120, %dma_start3A_121] : memref<10000x144xf32, #tpu.memory_space<hbm>> -> memref<10000x144xf32, #tpu.memory_space<hbm>>
      tpu.enqueue_indirect_dma source(%dma_start3A_122 : memref<10000x144xf32, #tpu.memory_space<hbm>>) target(%arg8 : memref<128x144xf32, #tpu.memory_space<vmem>>) offsets(%dma_start3A_119 : memref<128xi32, #tpu.memory_space<vmem>>) semaphore(%arg10 : memref<!tpu.dma_semaphore, #tpu.memory_space<semaphore_mem>>)
      %add3A_123 = arith.constant 3 : i32
      %add3A_124 = arith.addi %mul3A_62, %add3A_123 : i32
      %dma_wait3A_125 = arith.constant 0 : i32
      %dma_wait3A_126 = tpu.memref_slice %arg6[%add3A_124, %dma_wait3A_125] : memref<16x128xi32, #tpu.memory_space<vmem>> -> memref<1x128xi32, #tpu.memory_space<vmem>>
      %dma_wait3A_127 = tpu.memref_squeeze %dma_wait3A_126 : memref<1x128xi32, #tpu.memory_space<vmem>> -> memref<128xi32, #tpu.memory_space<vmem>>
      %dma_wait3A_128 = arith.constant 0 : i32
      %dma_wait3A_129 = arith.constant 0 : i32
      %dma_wait3A_130 = tpu.memref_slice %arg2[%dma_wait3A_128, %dma_wait3A_129] : memref<10000x144xf32, #tpu.memory_space<hbm>> -> memref<10000x144xf32, #tpu.memory_space<hbm>>
      tpu.wait_indirect_dma semaphore(%arg11 : memref<!tpu.dma_semaphore, #tpu.memory_space<semaphore_mem>>) src(%dma_wait3A_130 : memref<10000x144xf32, #tpu.memory_space<hbm>>) dst(%arg9 : memref<128x144xf32, #tpu.memory_space<vmem>>)
      %run_scoped3A_131 = arith.constant 3 : i32
      "tpu.region"() ({
        %run_scoped3A_214 = tpu.sem_alloc : memref<!tpu.dma_semaphore, #tpu.memory_space<semaphore_mem>>
        %dma_start3A_215 = arith.constant 0 : i32
        %dma_start3A_216 = tpu.memref_slice %arg7[%run_scoped3A_131, %dma_start3A_215] : memref<8x128xi32, #tpu.memory_space<vmem>> -> memref<1x128xi32, #tpu.memory_space<vmem>>
        %dma_start3A_217 = tpu.memref_squeeze %dma_start3A_216 : memref<1x128xi32, #tpu.memory_space<vmem>> -> memref<128xi32, #tpu.memory_space<vmem>>
        %dma_start3A_218 = arith.constant 0 : i32
        %dma_start3A_219 = arith.constant 0 : i32
        %dma_start3A_220 = tpu.memref_slice %arg13[%dma_start3A_218, %dma_start3A_219] : memref<10112x144xf32, #tpu.memory_space<vmem_shared>> -> memref<10112x144xf32, #tpu.memory_space<vmem_shared>>
        tpu.enqueue_indirect_dma source(%arg9 : memref<128x144xf32, #tpu.memory_space<vmem>>) target(%dma_start3A_220 : memref<10112x144xf32, #tpu.memory_space<vmem_shared>>) offsets(%dma_start3A_217 : memref<128xi32, #tpu.memory_space<vmem>>) semaphore(%run_scoped3A_214 : memref<!tpu.dma_semaphore, #tpu.memory_space<semaphore_mem>>) {add = true}
        %dma_wait3A_221 = arith.constant 0 : i32
        %dma_wait3A_222 = tpu.memref_slice %arg7[%run_scoped3A_131, %dma_wait3A_221] : memref<8x128xi32, #tpu.memory_space<vmem>> -> memref<1x128xi32, #tpu.memory_space<vmem>>
        %dma_wait3A_223 = tpu.memref_squeeze %dma_wait3A_222 : memref<1x128xi32, #tpu.memory_space<vmem>> -> memref<128xi32, #tpu.memory_space<vmem>>
        %dma_wait3A_224 = arith.constant 0 : i32
        %dma_wait3A_225 = arith.constant 0 : i32
        %dma_wait3A_226 = tpu.memref_slice %arg13[%dma_wait3A_224, %dma_wait3A_225] : memref<10112x144xf32, #tpu.memory_space<vmem_shared>> -> memref<10112x144xf32, #tpu.memory_space<vmem_shared>>
        tpu.wait_indirect_dma semaphore(%run_scoped3A_214 : memref<!tpu.dma_semaphore, #tpu.memory_space<semaphore_mem>>) src(%arg9 : memref<128x144xf32, #tpu.memory_space<vmem>>) dst(%dma_wait3A_226 : memref<10112x144xf32, #tpu.memory_space<vmem_shared>>)
        tpu.yield
      }) : () -> ()
      %add3A_132 = arith.constant 3 : i32
      %add3A_133 = arith.addi %mul3A_62, %add3A_132 : i32
      %add3A_134 = arith.constant 2 : i32
      %add3A_135 = arith.addi %add3A_133, %add3A_134 : i32
      %dma_start3A_136 = arith.constant 0 : i32
      %dma_start3A_137 = tpu.memref_slice %arg6[%add3A_135, %dma_start3A_136] : memref<16x128xi32, #tpu.memory_space<vmem>> -> memref<1x128xi32, #tpu.memory_space<vmem>>
      %dma_start3A_138 = tpu.memref_squeeze %dma_start3A_137 : memref<1x128xi32, #tpu.memory_space<vmem>> -> memref<128xi32, #tpu.memory_space<vmem>>
      %dma_start3A_139 = arith.constant 0 : i32
      %dma_start3A_140 = arith.constant 0 : i32
      %dma_start3A_141 = tpu.memref_slice %arg2[%dma_start3A_139, %dma_start3A_140] : memref<10000x144xf32, #tpu.memory_space<hbm>> -> memref<10000x144xf32, #tpu.memory_space<hbm>>
      tpu.enqueue_indirect_dma source(%dma_start3A_141 : memref<10000x144xf32, #tpu.memory_space<hbm>>) target(%arg9 : memref<128x144xf32, #tpu.memory_space<vmem>>) offsets(%dma_start3A_138 : memref<128xi32, #tpu.memory_space<vmem>>) semaphore(%arg11 : memref<!tpu.dma_semaphore, #tpu.memory_space<semaphore_mem>>)
      %add3A_142 = arith.constant 4 : i32
      %add3A_143 = arith.addi %mul3A_62, %add3A_142 : i32
      %dma_wait3A_144 = arith.constant 0 : i32
      %dma_wait3A_145 = tpu.memref_slice %arg6[%add3A_143, %dma_wait3A_144] : memref<16x128xi32, #tpu.memory_space<vmem>> -> memref<1x128xi32, #tpu.memory_space<vmem>>
      %dma_wait3A_146 = tpu.memref_squeeze %dma_wait3A_145 : memref<1x128xi32, #tpu.memory_space<vmem>> -> memref<128xi32, #tpu.memory_space<vmem>>
      %dma_wait3A_147 = arith.constant 0 : i32
      %dma_wait3A_148 = arith.constant 0 : i32
      %dma_wait3A_149 = tpu.memref_slice %arg2[%dma_wait3A_147, %dma_wait3A_148] : memref<10000x144xf32, #tpu.memory_space<hbm>> -> memref<10000x144xf32, #tpu.memory_space<hbm>>
      tpu.wait_indirect_dma semaphore(%arg10 : memref<!tpu.dma_semaphore, #tpu.memory_space<semaphore_mem>>) src(%dma_wait3A_149 : memref<10000x144xf32, #tpu.memory_space<hbm>>) dst(%arg8 : memref<128x144xf32, #tpu.memory_space<vmem>>)
      %run_scoped3A_150 = arith.constant 4 : i32
      "tpu.region"() ({
        %run_scoped3A_214 = tpu.sem_alloc : memref<!tpu.dma_semaphore, #tpu.memory_space<semaphore_mem>>
        %dma_start3A_215 = arith.constant 0 : i32
        %dma_start3A_216 = tpu.memref_slice %arg7[%run_scoped3A_150, %dma_start3A_215] : memref<8x128xi32, #tpu.memory_space<vmem>> -> memref<1x128xi32, #tpu.memory_space<vmem>>
        %dma_start3A_217 = tpu.memref_squeeze %dma_start3A_216 : memref<1x128xi32, #tpu.memory_space<vmem>> -> memref<128xi32, #tpu.memory_space<vmem>>
        %dma_start3A_218 = arith.constant 0 : i32
        %dma_start3A_219 = arith.constant 0 : i32
        %dma_start3A_220 = tpu.memref_slice %arg13[%dma_start3A_218, %dma_start3A_219] : memref<10112x144xf32, #tpu.memory_space<vmem_shared>> -> memref<10112x144xf32, #tpu.memory_space<vmem_shared>>
        tpu.enqueue_indirect_dma source(%arg8 : memref<128x144xf32, #tpu.memory_space<vmem>>) target(%dma_start3A_220 : memref<10112x144xf32, #tpu.memory_space<vmem_shared>>) offsets(%dma_start3A_217 : memref<128xi32, #tpu.memory_space<vmem>>) semaphore(%run_scoped3A_214 : memref<!tpu.dma_semaphore, #tpu.memory_space<semaphore_mem>>) {add = true}
        %dma_wait3A_221 = arith.constant 0 : i32
        %dma_wait3A_222 = tpu.memref_slice %arg7[%run_scoped3A_150, %dma_wait3A_221] : memref<8x128xi32, #tpu.memory_space<vmem>> -> memref<1x128xi32, #tpu.memory_space<vmem>>
        %dma_wait3A_223 = tpu.memref_squeeze %dma_wait3A_222 : memref<1x128xi32, #tpu.memory_space<vmem>> -> memref<128xi32, #tpu.memory_space<vmem>>
        %dma_wait3A_224 = arith.constant 0 : i32
        %dma_wait3A_225 = arith.constant 0 : i32
        %dma_wait3A_226 = tpu.memref_slice %arg13[%dma_wait3A_224, %dma_wait3A_225] : memref<10112x144xf32, #tpu.memory_space<vmem_shared>> -> memref<10112x144xf32, #tpu.memory_space<vmem_shared>>
        tpu.wait_indirect_dma semaphore(%run_scoped3A_214 : memref<!tpu.dma_semaphore, #tpu.memory_space<semaphore_mem>>) src(%arg8 : memref<128x144xf32, #tpu.memory_space<vmem>>) dst(%dma_wait3A_226 : memref<10112x144xf32, #tpu.memory_space<vmem_shared>>)
        tpu.yield
      }) : () -> ()
      %add3A_151 = arith.constant 4 : i32
      %add3A_152 = arith.addi %mul3A_62, %add3A_151 : i32
      %add3A_153 = arith.constant 2 : i32
      %add3A_154 = arith.addi %add3A_152, %add3A_153 : i32
      %dma_start3A_155 = arith.constant 0 : i32
      %dma_start3A_156 = tpu.memref_slice %arg6[%add3A_154, %dma_start3A_155] : memref<16x128xi32, #tpu.memory_space<vmem>> -> memref<1x128xi32, #tpu.memory_space<vmem>>
      %dma_start3A_157 = tpu.memref_squeeze %dma_start3A_156 : memref<1x128xi32, #tpu.memory_space<vmem>> -> memref<128xi32, #tpu.memory_space<vmem>>
      %dma_start3A_158 = arith.constant 0 : i32
      %dma_start3A_159 = arith.constant 0 : i32
      %dma_start3A_160 = tpu.memref_slice %arg2[%dma_start3A_158, %dma_start3A_159] : memref<10000x144xf32, #tpu.memory_space<hbm>> -> memref<10000x144xf32, #tpu.memory_space<hbm>>
      tpu.enqueue_indirect_dma source(%dma_start3A_160 : memref<10000x144xf32, #tpu.memory_space<hbm>>) target(%arg8 : memref<128x144xf32, #tpu.memory_space<vmem>>) offsets(%dma_start3A_157 : memref<128xi32, #tpu.memory_space<vmem>>) semaphore(%arg10 : memref<!tpu.dma_semaphore, #tpu.memory_space<semaphore_mem>>)
      %add3A_161 = arith.constant 5 : i32
      %add3A_162 = arith.addi %mul3A_62, %add3A_161 : i32
      %dma_wait3A_163 = arith.constant 0 : i32
      %dma_wait3A_164 = tpu.memref_slice %arg6[%add3A_162, %dma_wait3A_163] : memref<16x128xi32, #tpu.memory_space<vmem>> -> memref<1x128xi32, #tpu.memory_space<vmem>>
      %dma_wait3A_165 = tpu.memref_squeeze %dma_wait3A_164 : memref<1x128xi32, #tpu.memory_space<vmem>> -> memref<128xi32, #tpu.memory_space<vmem>>
      %dma_wait3A_166 = arith.constant 0 : i32
      %dma_wait3A_167 = arith.constant 0 : i32
      %dma_wait3A_168 = tpu.memref_slice %arg2[%dma_wait3A_166, %dma_wait3A_167] : memref<10000x144xf32, #tpu.memory_space<hbm>> -> memref<10000x144xf32, #tpu.memory_space<hbm>>
      tpu.wait_indirect_dma semaphore(%arg11 : memref<!tpu.dma_semaphore, #tpu.memory_space<semaphore_mem>>) src(%dma_wait3A_168 : memref<10000x144xf32, #tpu.memory_space<hbm>>) dst(%arg9 : memref<128x144xf32, #tpu.memory_space<vmem>>)
      %run_scoped3A_169 = arith.constant 5 : i32
      "tpu.region"() ({
        %run_scoped3A_214 = tpu.sem_alloc : memref<!tpu.dma_semaphore, #tpu.memory_space<semaphore_mem>>
        %dma_start3A_215 = arith.constant 0 : i32
        %dma_start3A_216 = tpu.memref_slice %arg7[%run_scoped3A_169, %dma_start3A_215] : memref<8x128xi32, #tpu.memory_space<vmem>> -> memref<1x128xi32, #tpu.memory_space<vmem>>
        %dma_start3A_217 = tpu.memref_squeeze %dma_start3A_216 : memref<1x128xi32, #tpu.memory_space<vmem>> -> memref<128xi32, #tpu.memory_space<vmem>>
        %dma_start3A_218 = arith.constant 0 : i32
        %dma_start3A_219 = arith.constant 0 : i32
        %dma_start3A_220 = tpu.memref_slice %arg13[%dma_start3A_218, %dma_start3A_219] : memref<10112x144xf32, #tpu.memory_space<vmem_shared>> -> memref<10112x144xf32, #tpu.memory_space<vmem_shared>>
        tpu.enqueue_indirect_dma source(%arg9 : memref<128x144xf32, #tpu.memory_space<vmem>>) target(%dma_start3A_220 : memref<10112x144xf32, #tpu.memory_space<vmem_shared>>) offsets(%dma_start3A_217 : memref<128xi32, #tpu.memory_space<vmem>>) semaphore(%run_scoped3A_214 : memref<!tpu.dma_semaphore, #tpu.memory_space<semaphore_mem>>) {add = true}
        %dma_wait3A_221 = arith.constant 0 : i32
        %dma_wait3A_222 = tpu.memref_slice %arg7[%run_scoped3A_169, %dma_wait3A_221] : memref<8x128xi32, #tpu.memory_space<vmem>> -> memref<1x128xi32, #tpu.memory_space<vmem>>
        %dma_wait3A_223 = tpu.memref_squeeze %dma_wait3A_222 : memref<1x128xi32, #tpu.memory_space<vmem>> -> memref<128xi32, #tpu.memory_space<vmem>>
        %dma_wait3A_224 = arith.constant 0 : i32
        %dma_wait3A_225 = arith.constant 0 : i32
        %dma_wait3A_226 = tpu.memref_slice %arg13[%dma_wait3A_224, %dma_wait3A_225] : memref<10112x144xf32, #tpu.memory_space<vmem_shared>> -> memref<10112x144xf32, #tpu.memory_space<vmem_shared>>
        tpu.wait_indirect_dma semaphore(%run_scoped3A_214 : memref<!tpu.dma_semaphore, #tpu.memory_space<semaphore_mem>>) src(%arg9 : memref<128x144xf32, #tpu.memory_space<vmem>>) dst(%dma_wait3A_226 : memref<10112x144xf32, #tpu.memory_space<vmem_shared>>)
        tpu.yield
      }) : () -> ()
      %add3A_170 = arith.constant 5 : i32
      %add3A_171 = arith.addi %mul3A_62, %add3A_170 : i32
      %add3A_172 = arith.constant 2 : i32
      %add3A_173 = arith.addi %add3A_171, %add3A_172 : i32
      %dma_start3A_174 = arith.constant 0 : i32
      %dma_start3A_175 = tpu.memref_slice %arg6[%add3A_173, %dma_start3A_174] : memref<16x128xi32, #tpu.memory_space<vmem>> -> memref<1x128xi32, #tpu.memory_space<vmem>>
      %dma_start3A_176 = tpu.memref_squeeze %dma_start3A_175 : memref<1x128xi32, #tpu.memory_space<vmem>> -> memref<128xi32, #tpu.memory_space<vmem>>
      %dma_start3A_177 = arith.constant 0 : i32
      %dma_start3A_178 = arith.constant 0 : i32
      %dma_start3A_179 = tpu.memref_slice %arg2[%dma_start3A_177, %dma_start3A_178] : memref<10000x144xf32, #tpu.memory_space<hbm>> -> memref<10000x144xf32, #tpu.memory_space<hbm>>
      tpu.enqueue_indirect_dma source(%dma_start3A_179 : memref<10000x144xf32, #tpu.memory_space<hbm>>) target(%arg9 : memref<128x144xf32, #tpu.memory_space<vmem>>) offsets(%dma_start3A_176 : memref<128xi32, #tpu.memory_space<vmem>>) semaphore(%arg11 : memref<!tpu.dma_semaphore, #tpu.memory_space<semaphore_mem>>)
      %lt3A_180 = arith.constant 9 : i32
      %lt3A_181 = arith.cmpi slt, %scan3A_58, %lt3A_180 : i32
      %convert_element_type3A_182 = arith.extui %lt3A_181 : i1 to i32
      %cond3A_183 = arith.constant 0 : i32
      %cond3A_184 = arith.cmpi ne, %convert_element_type3A_182, %cond3A_183 : i32
      scf.if %cond3A_184 {
        %add3A_214 = arith.constant 1 : i32
        %add3A_215 = arith.addi %scan3A_58, %add3A_214 : i32
        %mul3A_216 = arith.constant 8 : i32
        %mul3A_217 = arith.muli %add3A_215, %mul3A_216 : i32
        %dma_wait3A_218 = arith.constant 0 : i32
        %dma_wait3A_219 = tpu.memref_slice %arg6[%sub3A_63, %dma_wait3A_218] : memref<16x128xi32, #tpu.memory_space<vmem>> -> memref<8x128xi32, #tpu.memory_space<vmem>>
        %dma_wait3A_220 = arith.constant 0 : i32
        %dma_wait3A_221 = tpu.memref_slice %arg3[%arg0, %arg1, %mul3A_217, %dma_wait3A_220] : memref<2x16x80x128xi32, #tpu.memory_space<hbm>> -> memref<1x1x8x128xi32, #tpu.memory_space<hbm>>
        %dma_wait3A_222 = tpu.memref_squeeze %dma_wait3A_221 : memref<1x1x8x128xi32, #tpu.memory_space<hbm>> -> memref<8x128xi32, #tpu.memory_space<hbm>>
        %dma_wait3A_223 = arith.constant 0 : i32
        %dma_wait3A_224 = tpu.memref_slice %arg6[%sub3A_63, %dma_wait3A_223] : memref<16x128xi32, #tpu.memory_space<vmem>> -> memref<8x128xi32, #tpu.memory_space<vmem>>
        %dma_wait3A_225 = arith.constant 0 : i32
        %dma_wait3A_226 = tpu.memref_slice %arg3[%arg0, %arg1, %mul3A_217, %dma_wait3A_225] : memref<2x16x80x128xi32, #tpu.memory_space<hbm>> -> memref<1x1x8x128xi32, #tpu.memory_space<hbm>>
        %dma_wait3A_227 = tpu.memref_squeeze %dma_wait3A_226 : memref<1x1x8x128xi32, #tpu.memory_space<hbm>> -> memref<8x128xi32, #tpu.memory_space<hbm>>
        tpu.wait_dma2 semaphore(%arg12 : memref<!tpu.dma_semaphore, #tpu.memory_space<semaphore_mem>>) src(%dma_wait3A_227 : memref<8x128xi32, #tpu.memory_space<hbm>>) dst(%dma_wait3A_224 : memref<8x128xi32, #tpu.memory_space<vmem>>)
      } else {
      }
      %add3A_185 = arith.constant 6 : i32
      %add3A_186 = arith.addi %mul3A_62, %add3A_185 : i32
      %dma_wait3A_187 = arith.constant 0 : i32
      %dma_wait3A_188 = tpu.memref_slice %arg6[%add3A_186, %dma_wait3A_187] : memref<16x128xi32, #tpu.memory_space<vmem>> -> memref<1x128xi32, #tpu.memory_space<vmem>>
      %dma_wait3A_189 = tpu.memref_squeeze %dma_wait3A_188 : memref<1x128xi32, #tpu.memory_space<vmem>> -> memref<128xi32, #tpu.memory_space<vmem>>
      %dma_wait3A_190 = arith.constant 0 : i32
      %dma_wait3A_191 = arith.constant 0 : i32
      %dma_wait3A_192 = tpu.memref_slice %arg2[%dma_wait3A_190, %dma_wait3A_191] : memref<10000x144xf32, #tpu.memory_space<hbm>> -> memref<10000x144xf32, #tpu.memory_space<hbm>>
      tpu.wait_indirect_dma semaphore(%arg10 : memref<!tpu.dma_semaphore, #tpu.memory_space<semaphore_mem>>) src(%dma_wait3A_192 : memref<10000x144xf32, #tpu.memory_space<hbm>>) dst(%arg8 : memref<128x144xf32, #tpu.memory_space<vmem>>)
      %run_scoped3A_193 = arith.constant 6 : i32
      "tpu.region"() ({
        %run_scoped3A_214 = tpu.sem_alloc : memref<!tpu.dma_semaphore, #tpu.memory_space<semaphore_mem>>
        %dma_start3A_215 = arith.constant 0 : i32
        %dma_start3A_216 = tpu.memref_slice %arg7[%run_scoped3A_193, %dma_start3A_215] : memref<8x128xi32, #tpu.memory_space<vmem>> -> memref<1x128xi32, #tpu.memory_space<vmem>>
        %dma_start3A_217 = tpu.memref_squeeze %dma_start3A_216 : memref<1x128xi32, #tpu.memory_space<vmem>> -> memref<128xi32, #tpu.memory_space<vmem>>
        %dma_start3A_218 = arith.constant 0 : i32
        %dma_start3A_219 = arith.constant 0 : i32
        %dma_start3A_220 = tpu.memref_slice %arg13[%dma_start3A_218, %dma_start3A_219] : memref<10112x144xf32, #tpu.memory_space<vmem_shared>> -> memref<10112x144xf32, #tpu.memory_space<vmem_shared>>
        tpu.enqueue_indirect_dma source(%arg8 : memref<128x144xf32, #tpu.memory_space<vmem>>) target(%dma_start3A_220 : memref<10112x144xf32, #tpu.memory_space<vmem_shared>>) offsets(%dma_start3A_217 : memref<128xi32, #tpu.memory_space<vmem>>) semaphore(%run_scoped3A_214 : memref<!tpu.dma_semaphore, #tpu.memory_space<semaphore_mem>>) {add = true}
        %dma_wait3A_221 = arith.constant 0 : i32
        %dma_wait3A_222 = tpu.memref_slice %arg7[%run_scoped3A_193, %dma_wait3A_221] : memref<8x128xi32, #tpu.memory_space<vmem>> -> memref<1x128xi32, #tpu.memory_space<vmem>>
        %dma_wait3A_223 = tpu.memref_squeeze %dma_wait3A_222 : memref<1x128xi32, #tpu.memory_space<vmem>> -> memref<128xi32, #tpu.memory_space<vmem>>
        %dma_wait3A_224 = arith.constant 0 : i32
        %dma_wait3A_225 = arith.constant 0 : i32
        %dma_wait3A_226 = tpu.memref_slice %arg13[%dma_wait3A_224, %dma_wait3A_225] : memref<10112x144xf32, #tpu.memory_space<vmem_shared>> -> memref<10112x144xf32, #tpu.memory_space<vmem_shared>>
        tpu.wait_indirect_dma semaphore(%run_scoped3A_214 : memref<!tpu.dma_semaphore, #tpu.memory_space<semaphore_mem>>) src(%arg8 : memref<128x144xf32, #tpu.memory_space<vmem>>) dst(%dma_wait3A_226 : memref<10112x144xf32, #tpu.memory_space<vmem_shared>>)
        tpu.yield
      }) : () -> ()
      %lt3A_194 = arith.constant 9 : i32
      %lt3A_195 = arith.cmpi slt, %scan3A_58, %lt3A_194 : i32
      %convert_element_type3A_196 = arith.extui %lt3A_195 : i1 to i32
      %cond3A_197 = arith.constant 0 : i32
      %cond3A_198 = arith.cmpi ne, %convert_element_type3A_196, %cond3A_197 : i32
      scf.if %cond3A_198 {
        %add3A_214 = arith.constant 6 : i32
        %add3A_215 = arith.addi %sub3A_63, %add3A_214 : i32
        %sub3A_216 = arith.constant 6 : i32
        %sub3A_217 = arith.subi %add3A_215, %sub3A_216 : i32
        %dma_start3A_218 = arith.constant 0 : i32
        %dma_start3A_219 = tpu.memref_slice %arg6[%sub3A_217, %dma_start3A_218] : memref<16x128xi32, #tpu.memory_space<vmem>> -> memref<1x128xi32, #tpu.memory_space<vmem>>
        %dma_start3A_220 = tpu.memref_squeeze %dma_start3A_219 : memref<1x128xi32, #tpu.memory_space<vmem>> -> memref<128xi32, #tpu.memory_space<vmem>>
        %dma_start3A_221 = arith.constant 0 : i32
        %dma_start3A_222 = arith.constant 0 : i32
        %dma_start3A_223 = tpu.memref_slice %arg2[%dma_start3A_221, %dma_start3A_222] : memref<10000x144xf32, #tpu.memory_space<hbm>> -> memref<10000x144xf32, #tpu.memory_space<hbm>>
        tpu.enqueue_indirect_dma source(%dma_start3A_223 : memref<10000x144xf32, #tpu.memory_space<hbm>>) target(%arg8 : memref<128x144xf32, #tpu.memory_space<vmem>>) offsets(%dma_start3A_220 : memref<128xi32, #tpu.memory_space<vmem>>) semaphore(%arg10 : memref<!tpu.dma_semaphore, #tpu.memory_space<semaphore_mem>>)
      } else {
      }
      %add3A_199 = arith.constant 7 : i32
      %add3A_200 = arith.addi %mul3A_62, %add3A_199 : i32
      %dma_wait3A_201 = arith.constant 0 : i32
      %dma_wait3A_202 = tpu.memref_slice %arg6[%add3A_200, %dma_wait3A_201] : memref<16x128xi32, #tpu.memory_space<vmem>> -> memref<1x128xi32, #tpu.memory_space<vmem>>
      %dma_wait3A_203 = tpu.memref_squeeze %dma_wait3A_202 : memref<1x128xi32, #tpu.memory_space<vmem>> -> memref<128xi32, #tpu.memory_space<vmem>>
      %dma_wait3A_204 = arith.constant 0 : i32
      %dma_wait3A_205 = arith.constant 0 : i32
      %dma_wait3A_206 = tpu.memref_slice %arg2[%dma_wait3A_204, %dma_wait3A_205] : memref<10000x144xf32, #tpu.memory_space<hbm>> -> memref<10000x144xf32, #tpu.memory_space<hbm>>
      tpu.wait_indirect_dma semaphore(%arg11 : memref<!tpu.dma_semaphore, #tpu.memory_space<semaphore_mem>>) src(%dma_wait3A_206 : memref<10000x144xf32, #tpu.memory_space<hbm>>) dst(%arg9 : memref<128x144xf32, #tpu.memory_space<vmem>>)
      %run_scoped3A_207 = arith.constant 7 : i32
      "tpu.region"() ({
        %run_scoped3A_214 = tpu.sem_alloc : memref<!tpu.dma_semaphore, #tpu.memory_space<semaphore_mem>>
        %dma_start3A_215 = arith.constant 0 : i32
        %dma_start3A_216 = tpu.memref_slice %arg7[%run_scoped3A_207, %dma_start3A_215] : memref<8x128xi32, #tpu.memory_space<vmem>> -> memref<1x128xi32, #tpu.memory_space<vmem>>
        %dma_start3A_217 = tpu.memref_squeeze %dma_start3A_216 : memref<1x128xi32, #tpu.memory_space<vmem>> -> memref<128xi32, #tpu.memory_space<vmem>>
        %dma_start3A_218 = arith.constant 0 : i32
        %dma_start3A_219 = arith.constant 0 : i32
        %dma_start3A_220 = tpu.memref_slice %arg13[%dma_start3A_218, %dma_start3A_219] : memref<10112x144xf32, #tpu.memory_space<vmem_shared>> -> memref<10112x144xf32, #tpu.memory_space<vmem_shared>>
        tpu.enqueue_indirect_dma source(%arg9 : memref<128x144xf32, #tpu.memory_space<vmem>>) target(%dma_start3A_220 : memref<10112x144xf32, #tpu.memory_space<vmem_shared>>) offsets(%dma_start3A_217 : memref<128xi32, #tpu.memory_space<vmem>>) semaphore(%run_scoped3A_214 : memref<!tpu.dma_semaphore, #tpu.memory_space<semaphore_mem>>) {add = true}
        %dma_wait3A_221 = arith.constant 0 : i32
        %dma_wait3A_222 = tpu.memref_slice %arg7[%run_scoped3A_207, %dma_wait3A_221] : memref<8x128xi32, #tpu.memory_space<vmem>> -> memref<1x128xi32, #tpu.memory_space<vmem>>
        %dma_wait3A_223 = tpu.memref_squeeze %dma_wait3A_222 : memref<1x128xi32, #tpu.memory_space<vmem>> -> memref<128xi32, #tpu.memory_space<vmem>>
        %dma_wait3A_224 = arith.constant 0 : i32
        %dma_wait3A_225 = arith.constant 0 : i32
        %dma_wait3A_226 = tpu.memref_slice %arg13[%dma_wait3A_224, %dma_wait3A_225] : memref<10112x144xf32, #tpu.memory_space<vmem_shared>> -> memref<10112x144xf32, #tpu.memory_space<vmem_shared>>
        tpu.wait_indirect_dma semaphore(%run_scoped3A_214 : memref<!tpu.dma_semaphore, #tpu.memory_space<semaphore_mem>>) src(%arg9 : memref<128x144xf32, #tpu.memory_space<vmem>>) dst(%dma_wait3A_226 : memref<10112x144xf32, #tpu.memory_space<vmem_shared>>)
        tpu.yield
      }) : () -> ()
      %lt3A_208 = arith.constant 9 : i32
      %lt3A_209 = arith.cmpi slt, %scan3A_58, %lt3A_208 : i32
      %convert_element_type3A_210 = arith.extui %lt3A_209 : i1 to i32
      %cond3A_211 = arith.constant 0 : i32
      %cond3A_212 = arith.cmpi ne, %convert_element_type3A_210, %cond3A_211 : i32
      scf.if %cond3A_212 {
        %add3A_214 = arith.constant 7 : i32
        %add3A_215 = arith.addi %sub3A_63, %add3A_214 : i32
        %sub3A_216 = arith.constant 6 : i32
        %sub3A_217 = arith.subi %add3A_215, %sub3A_216 : i32
        %dma_start3A_218 = arith.constant 0 : i32
        %dma_start3A_219 = tpu.memref_slice %arg6[%sub3A_217, %dma_start3A_218] : memref<16x128xi32, #tpu.memory_space<vmem>> -> memref<1x128xi32, #tpu.memory_space<vmem>>
        %dma_start3A_220 = tpu.memref_squeeze %dma_start3A_219 : memref<1x128xi32, #tpu.memory_space<vmem>> -> memref<128xi32, #tpu.memory_space<vmem>>
        %dma_start3A_221 = arith.constant 0 : i32
        %dma_start3A_222 = arith.constant 0 : i32
        %dma_start3A_223 = tpu.memref_slice %arg2[%dma_start3A_221, %dma_start3A_222] : memref<10000x144xf32, #tpu.memory_space<hbm>> -> memref<10000x144xf32, #tpu.memory_space<hbm>>
        tpu.enqueue_indirect_dma source(%dma_start3A_223 : memref<10000x144xf32, #tpu.memory_space<hbm>>) target(%arg9 : memref<128x144xf32, #tpu.memory_space<vmem>>) offsets(%dma_start3A_220 : memref<128xi32, #tpu.memory_space<vmem>>) semaphore(%arg11 : memref<!tpu.dma_semaphore, #tpu.memory_space<semaphore_mem>>)
      } else {
      }
      %scan3A_213 = arith.constant 0 : i32
      scf.yield %scan3A_213 : i32
    }
    %scan3A_36 = arith.constant 10 : i32
    %barrier3A_37 = arith.constant 0 : index
    tpu.barrier barrier_id(%barrier3A_37)
    %add3A_38 = arith.constant 0 : i32
    %add3A_39 = arith.addi %mul3A_1, %add3A_38 : i32
    %add3A_40 = arith.constant 0 : i32
    %add3A_41 = arith.addi %mul3A_1, %add3A_40 : i32
    "tpu.region"() ({
      %run_scoped3A = tpu.sem_alloc : memref<!tpu.dma_semaphore, #tpu.memory_space<semaphore_mem>>
      %dma_start3A_58 = arith.constant 0 : i32
      %dma_start3A_59 = tpu.memref_slice %arg5[%arg0, %add3A_41, %dma_start3A_58] : memref<2x10112x144xf32, #tpu.memory_space<hbm>> -> memref<1x128x144xf32, #tpu.memory_space<hbm>>
      %dma_start3A_60 = tpu.memref_squeeze %dma_start3A_59 : memref<1x128x144xf32, #tpu.memory_space<hbm>> -> memref<128x144xf32, #tpu.memory_space<hbm>>
      %dma_start3A_61 = arith.constant 0 : i32
      %dma_start3A_62 = tpu.memref_slice %arg13[%add3A_39, %dma_start3A_61] : memref<10112x144xf32, #tpu.memory_space<vmem_shared>> -> memref<128x144xf32, #tpu.memory_space<vmem_shared>>
      tpu.enqueue_dma source(%dma_start3A_62 : memref<128x144xf32, #tpu.memory_space<vmem_shared>>) target(%dma_start3A_60 : memref<128x144xf32, #tpu.memory_space<hbm>>) target_semaphore(%run_scoped3A : memref<!tpu.dma_semaphore, #tpu.memory_space<semaphore_mem>>)
      %dma_wait3A = arith.constant 0 : i32
      %dma_wait3A_63 = tpu.memref_slice %arg5[%arg0, %add3A_41, %dma_wait3A] : memref<2x10112x144xf32, #tpu.memory_space<hbm>> -> memref<1x128x144xf32, #tpu.memory_space<hbm>>
      %dma_wait3A_64 = tpu.memref_squeeze %dma_wait3A_63 : memref<1x128x144xf32, #tpu.memory_space<hbm>> -> memref<128x144xf32, #tpu.memory_space<hbm>>
      %dma_wait3A_65 = arith.constant 0 : i32
      %dma_wait3A_66 = tpu.memref_slice %arg13[%add3A_39, %dma_wait3A_65] : memref<10112x144xf32, #tpu.memory_space<vmem_shared>> -> memref<128x144xf32, #tpu.memory_space<vmem_shared>>
      tpu.wait_dma2 semaphore(%run_scoped3A : memref<!tpu.dma_semaphore, #tpu.memory_space<semaphore_mem>>) src(%dma_wait3A_66 : memref<128x144xf32, #tpu.memory_space<vmem_shared>>) dst(%dma_wait3A_64 : memref<128x144xf32, #tpu.memory_space<hbm>>)
      tpu.yield
    }) : () -> ()
    %add3A_42 = arith.constant 128 : i32
    %add3A_43 = arith.addi %mul3A_1, %add3A_42 : i32
    %add3A_44 = arith.constant 128 : i32
    %add3A_45 = arith.addi %mul3A_1, %add3A_44 : i32
    "tpu.region"() ({
      %run_scoped3A = tpu.sem_alloc : memref<!tpu.dma_semaphore, #tpu.memory_space<semaphore_mem>>
      %dma_start3A_58 = arith.constant 0 : i32
      %dma_start3A_59 = tpu.memref_slice %arg5[%arg0, %add3A_45, %dma_start3A_58] : memref<2x10112x144xf32, #tpu.memory_space<hbm>> -> memref<1x128x144xf32, #tpu.memory_space<hbm>>
      %dma_start3A_60 = tpu.memref_squeeze %dma_start3A_59 : memref<1x128x144xf32, #tpu.memory_space<hbm>> -> memref<128x144xf32, #tpu.memory_space<hbm>>
      %dma_start3A_61 = arith.constant 0 : i32
      %dma_start3A_62 = tpu.memref_slice %arg13[%add3A_43, %dma_start3A_61] : memref<10112x144xf32, #tpu.memory_space<vmem_shared>> -> memref<128x144xf32, #tpu.memory_space<vmem_shared>>
      tpu.enqueue_dma source(%dma_start3A_62 : memref<128x144xf32, #tpu.memory_space<vmem_shared>>) target(%dma_start3A_60 : memref<128x144xf32, #tpu.memory_space<hbm>>) target_semaphore(%run_scoped3A : memref<!tpu.dma_semaphore, #tpu.memory_space<semaphore_mem>>)
      %dma_wait3A = arith.constant 0 : i32
      %dma_wait3A_63 = tpu.memref_slice %arg5[%arg0, %add3A_45, %dma_wait3A] : memref<2x10112x144xf32, #tpu.memory_space<hbm>> -> memref<1x128x144xf32, #tpu.memory_space<hbm>>
      %dma_wait3A_64 = tpu.memref_squeeze %dma_wait3A_63 : memref<1x128x144xf32, #tpu.memory_space<hbm>> -> memref<128x144xf32, #tpu.memory_space<hbm>>
      %dma_wait3A_65 = arith.constant 0 : i32
      %dma_wait3A_66 = tpu.memref_slice %arg13[%add3A_43, %dma_wait3A_65] : memref<10112x144xf32, #tpu.memory_space<vmem_shared>> -> memref<128x144xf32, #tpu.memory_space<vmem_shared>>
      tpu.wait_dma2 semaphore(%run_scoped3A : memref<!tpu.dma_semaphore, #tpu.memory_space<semaphore_mem>>) src(%dma_wait3A_66 : memref<128x144xf32, #tpu.memory_space<vmem_shared>>) dst(%dma_wait3A_64 : memref<128x144xf32, #tpu.memory_space<hbm>>)
      tpu.yield
    }) : () -> ()
    %add3A_46 = arith.constant 256 : i32
    %add3A_47 = arith.addi %mul3A_1, %add3A_46 : i32
    %add3A_48 = arith.constant 256 : i32
    %add3A_49 = arith.addi %mul3A_1, %add3A_48 : i32
    "tpu.region"() ({
      %run_scoped3A = tpu.sem_alloc : memref<!tpu.dma_semaphore, #tpu.memory_space<semaphore_mem>>
      %dma_start3A_58 = arith.constant 0 : i32
      %dma_start3A_59 = tpu.memref_slice %arg5[%arg0, %add3A_49, %dma_start3A_58] : memref<2x10112x144xf32, #tpu.memory_space<hbm>> -> memref<1x128x144xf32, #tpu.memory_space<hbm>>
      %dma_start3A_60 = tpu.memref_squeeze %dma_start3A_59 : memref<1x128x144xf32, #tpu.memory_space<hbm>> -> memref<128x144xf32, #tpu.memory_space<hbm>>
      %dma_start3A_61 = arith.constant 0 : i32
      %dma_start3A_62 = tpu.memref_slice %arg13[%add3A_47, %dma_start3A_61] : memref<10112x144xf32, #tpu.memory_space<vmem_shared>> -> memref<128x144xf32, #tpu.memory_space<vmem_shared>>
      tpu.enqueue_dma source(%dma_start3A_62 : memref<128x144xf32, #tpu.memory_space<vmem_shared>>) target(%dma_start3A_60 : memref<128x144xf32, #tpu.memory_space<hbm>>) target_semaphore(%run_scoped3A : memref<!tpu.dma_semaphore, #tpu.memory_space<semaphore_mem>>)
      %dma_wait3A = arith.constant 0 : i32
      %dma_wait3A_63 = tpu.memref_slice %arg5[%arg0, %add3A_49, %dma_wait3A] : memref<2x10112x144xf32, #tpu.memory_space<hbm>> -> memref<1x128x144xf32, #tpu.memory_space<hbm>>
      %dma_wait3A_64 = tpu.memref_squeeze %dma_wait3A_63 : memref<1x128x144xf32, #tpu.memory_space<hbm>> -> memref<128x144xf32, #tpu.memory_space<hbm>>
      %dma_wait3A_65 = arith.constant 0 : i32
      %dma_wait3A_66 = tpu.memref_slice %arg13[%add3A_47, %dma_wait3A_65] : memref<10112x144xf32, #tpu.memory_space<vmem_shared>> -> memref<128x144xf32, #tpu.memory_space<vmem_shared>>
      tpu.wait_dma2 semaphore(%run_scoped3A : memref<!tpu.dma_semaphore, #tpu.memory_space<semaphore_mem>>) src(%dma_wait3A_66 : memref<128x144xf32, #tpu.memory_space<vmem_shared>>) dst(%dma_wait3A_64 : memref<128x144xf32, #tpu.memory_space<hbm>>)
      tpu.yield
    }) : () -> ()
    %add3A_50 = arith.constant 384 : i32
    %add3A_51 = arith.addi %mul3A_1, %add3A_50 : i32
    %add3A_52 = arith.constant 384 : i32
    %add3A_53 = arith.addi %mul3A_1, %add3A_52 : i32
    "tpu.region"() ({
      %run_scoped3A = tpu.sem_alloc : memref<!tpu.dma_semaphore, #tpu.memory_space<semaphore_mem>>
      %dma_start3A_58 = arith.constant 0 : i32
      %dma_start3A_59 = tpu.memref_slice %arg5[%arg0, %add3A_53, %dma_start3A_58] : memref<2x10112x144xf32, #tpu.memory_space<hbm>> -> memref<1x128x144xf32, #tpu.memory_space<hbm>>
      %dma_start3A_60 = tpu.memref_squeeze %dma_start3A_59 : memref<1x128x144xf32, #tpu.memory_space<hbm>> -> memref<128x144xf32, #tpu.memory_space<hbm>>
      %dma_start3A_61 = arith.constant 0 : i32
      %dma_start3A_62 = tpu.memref_slice %arg13[%add3A_51, %dma_start3A_61] : memref<10112x144xf32, #tpu.memory_space<vmem_shared>> -> memref<128x144xf32, #tpu.memory_space<vmem_shared>>
      tpu.enqueue_dma source(%dma_start3A_62 : memref<128x144xf32, #tpu.memory_space<vmem_shared>>) target(%dma_start3A_60 : memref<128x144xf32, #tpu.memory_space<hbm>>) target_semaphore(%run_scoped3A : memref<!tpu.dma_semaphore, #tpu.memory_space<semaphore_mem>>)
      %dma_wait3A = arith.constant 0 : i32
      %dma_wait3A_63 = tpu.memref_slice %arg5[%arg0, %add3A_53, %dma_wait3A] : memref<2x10112x144xf32, #tpu.memory_space<hbm>> -> memref<1x128x144xf32, #tpu.memory_space<hbm>>
      %dma_wait3A_64 = tpu.memref_squeeze %dma_wait3A_63 : memref<1x128x144xf32, #tpu.memory_space<hbm>> -> memref<128x144xf32, #tpu.memory_space<hbm>>
      %dma_wait3A_65 = arith.constant 0 : i32
      %dma_wait3A_66 = tpu.memref_slice %arg13[%add3A_51, %dma_wait3A_65] : memref<10112x144xf32, #tpu.memory_space<vmem_shared>> -> memref<128x144xf32, #tpu.memory_space<vmem_shared>>
      tpu.wait_dma2 semaphore(%run_scoped3A : memref<!tpu.dma_semaphore, #tpu.memory_space<semaphore_mem>>) src(%dma_wait3A_66 : memref<128x144xf32, #tpu.memory_space<vmem_shared>>) dst(%dma_wait3A_64 : memref<128x144xf32, #tpu.memory_space<hbm>>)
      tpu.yield
    }) : () -> ()
    %add3A_54 = arith.constant 512 : i32
    %add3A_55 = arith.addi %mul3A_1, %add3A_54 : i32
    %add3A_56 = arith.constant 512 : i32
    %add3A_57 = arith.addi %mul3A_1, %add3A_56 : i32
    "tpu.region"() ({
      %run_scoped3A = tpu.sem_alloc : memref<!tpu.dma_semaphore, #tpu.memory_space<semaphore_mem>>
      %dma_start3A_58 = arith.constant 0 : i32
      %dma_start3A_59 = tpu.memref_slice %arg5[%arg0, %add3A_57, %dma_start3A_58] : memref<2x10112x144xf32, #tpu.memory_space<hbm>> -> memref<1x120x144xf32, #tpu.memory_space<hbm>>
      %dma_start3A_60 = tpu.memref_squeeze %dma_start3A_59 : memref<1x120x144xf32, #tpu.memory_space<hbm>> -> memref<120x144xf32, #tpu.memory_space<hbm>>
      %dma_start3A_61 = arith.constant 0 : i32
      %dma_start3A_62 = tpu.memref_slice %arg13[%add3A_55, %dma_start3A_61] : memref<10112x144xf32, #tpu.memory_space<vmem_shared>> -> memref<120x144xf32, #tpu.memory_space<vmem_shared>>
      tpu.enqueue_dma source(%dma_start3A_62 : memref<120x144xf32, #tpu.memory_space<vmem_shared>>) target(%dma_start3A_60 : memref<120x144xf32, #tpu.memory_space<hbm>>) target_semaphore(%run_scoped3A : memref<!tpu.dma_semaphore, #tpu.memory_space<semaphore_mem>>)
      %dma_wait3A = arith.constant 0 : i32
      %dma_wait3A_63 = tpu.memref_slice %arg5[%arg0, %add3A_57, %dma_wait3A] : memref<2x10112x144xf32, #tpu.memory_space<hbm>> -> memref<1x120x144xf32, #tpu.memory_space<hbm>>
      %dma_wait3A_64 = tpu.memref_squeeze %dma_wait3A_63 : memref<1x120x144xf32, #tpu.memory_space<hbm>> -> memref<120x144xf32, #tpu.memory_space<hbm>>
      %dma_wait3A_65 = arith.constant 0 : i32
      %dma_wait3A_66 = tpu.memref_slice %arg13[%add3A_55, %dma_wait3A_65] : memref<10112x144xf32, #tpu.memory_space<vmem_shared>> -> memref<120x144xf32, #tpu.memory_space<vmem_shared>>
      tpu.wait_dma2 semaphore(%run_scoped3A : memref<!tpu.dma_semaphore, #tpu.memory_space<semaphore_mem>>) src(%dma_wait3A_66 : memref<120x144xf32, #tpu.memory_space<vmem_shared>>) dst(%dma_wait3A_64 : memref<120x144xf32, #tpu.memory_space<hbm>>)
      tpu.yield
    }) : () -> ()
    return
  }
}

module attributes {stable_mosaic.version = 14 : i64} {
  func.func @_dense_body(%arg0: i32, %arg1: memref<1000x128xf32, #tpu.memory_space<vmem>>, %arg2: memref<2x1000x144xf32, #tpu.memory_space<vmem>>, %arg3: memref<128x128xf32, #tpu.memory_space<vmem>>, %arg4: memref<256x128xf32, #tpu.memory_space<vmem>>, %arg5: memref<1x128xf32, #tpu.memory_space<vmem>>, %arg6: memref<1000x128xf32, #tpu.memory_space<vmem>>) attributes {dimension_semantics = [#tpu.dimension_semantics<arbitrary>], iteration_bounds = array<i64: 10>, scalar_prefetch = 0 : i64, scratch_operands = 0 : i64, tpu.core_type = #tpu.core_type<tc>, window_params = [{transform_indices = @transform_0, window_bounds = array<i64: 1000, 128>}, {transform_indices = @transform_1, window_bounds = array<i64: 2, 1000, 144>}, {pipeline_mode = #tpu.pipeline_mode<synchronous>, transform_indices = @transform_2, window_bounds = array<i64: 128, 128>}, {pipeline_mode = #tpu.pipeline_mode<synchronous>, transform_indices = @transform_3, window_bounds = array<i64: 256, 128>}, {pipeline_mode = #tpu.pipeline_mode<synchronous>, transform_indices = @transform_4, window_bounds = array<i64: 1, 128>}, {transform_indices = @transform_5, window_bounds = array<i64: 1000, 128>}]} {
    %get3A = arith.constant 0 : index
    %get3A_0 = arith.constant 0 : index
    %get3A_1 = arith.constant 0 : index
    %get3A_2 = vector.load %arg2[%get3A, %get3A_0, %get3A_1] : memref<2x1000x144xf32, #tpu.memory_space<vmem>>, vector<1x1000x128xf32>
    %get3A_3 = vector.shape_cast %get3A_2 : vector<1x1000x128xf32> to vector<1000x128xf32>
    %get3A_4 = arith.constant 1 : index
    %get3A_5 = arith.constant 0 : index
    %get3A_6 = arith.constant 0 : index
    %get3A_7 = vector.load %arg2[%get3A_4, %get3A_5, %get3A_6] : memref<2x1000x144xf32, #tpu.memory_space<vmem>>, vector<1x1000x128xf32>
    %get3A_8 = vector.shape_cast %get3A_7 : vector<1x1000x128xf32> to vector<1000x128xf32>
    %get3A_9 = arith.constant 0 : index
    %get3A_10 = arith.constant 0 : index
    %get3A_11 = arith.constant 128 : index
    %get3A_12 = vector.load %arg2[%get3A_9, %get3A_10, %get3A_11] : memref<2x1000x144xf32, #tpu.memory_space<vmem>>, vector<1x1000x1xf32>
    %get3A_13 = vector.shape_cast %get3A_12 : vector<1x1000x1xf32> to vector<1000x1xf32>
    %max3A = arith.constant 1.000000e+00 : f32
    %max3A_14 = vector.broadcast %max3A : f32 to vector<1000x1xf32>
    %max3A_15 = arith.maximumf %get3A_13, %max3A_14 : vector<1000x1xf32>
    %get3A_16 = arith.constant 1 : index
    %get3A_17 = arith.constant 0 : index
    %get3A_18 = arith.constant 128 : index
    %get3A_19 = vector.load %arg2[%get3A_16, %get3A_17, %get3A_18] : memref<2x1000x144xf32, #tpu.memory_space<vmem>>, vector<1x1000x1xf32>
    %get3A_20 = vector.shape_cast %get3A_19 : vector<1x1000x1xf32> to vector<1000x1xf32>
    %max3A_21 = arith.constant 1.000000e+00 : f32
    %max3A_22 = vector.broadcast %max3A_21 : f32 to vector<1000x1xf32>
    %max3A_23 = arith.maximumf %get3A_20, %max3A_22 : vector<1000x1xf32>
    %get3A_24 = arith.constant 0 : index
    %get3A_25 = arith.constant 0 : index
    %get3A_26 = vector.load %arg1[%get3A_24, %get3A_25] : memref<1000x128xf32, #tpu.memory_space<vmem>>, vector<1000x128xf32>
    %get3A_27 = arith.constant 0 : index
    %get3A_28 = arith.constant 0 : index
    %get3A_29 = vector.load %arg3[%get3A_27, %get3A_28] : memref<128x128xf32, #tpu.memory_space<vmem>>, vector<128x128xf32>
    %dot_general3A = arith.constant dense<0.000000e+00> : vector<1000x128xf32>
    %dot_general3A_30 = tpu.matmul %get3A_26, %get3A_29, %dot_general3A {dimension_numbers = #tpu.dot_dimension_numbers<[1], [0], [0], [1], [0, 0, 1, 1], [], []>, transpose_lhs_hint = false} : vector<1000x128xf32>, vector<128x128xf32>, vector<1000x128xf32> -> vector<1000x128xf32>
    %div3A = vector.broadcast %max3A_15 : vector<1000x1xf32> to vector<1000x128xf32>
    %div3A_31 = arith.divf %get3A_3, %div3A : vector<1000x128xf32>
    %get3A_32 = arith.constant 0 : index
    %get3A_33 = arith.constant 0 : index
    %get3A_34 = vector.load %arg4[%get3A_32, %get3A_33] : memref<256x128xf32, #tpu.memory_space<vmem>>, vector<128x128xf32>
    %dot_general3A_35 = arith.constant dense<0.000000e+00> : vector<1000x128xf32>
    %dot_general3A_36 = tpu.matmul %div3A_31, %get3A_34, %dot_general3A_35 {dimension_numbers = #tpu.dot_dimension_numbers<[1], [0], [0], [1], [0, 0, 1, 1], [], []>, transpose_lhs_hint = false} : vector<1000x128xf32>, vector<128x128xf32>, vector<1000x128xf32> -> vector<1000x128xf32>
    %add3A = arith.addf %dot_general3A_30, %dot_general3A_36 : vector<1000x128xf32>
    %div3A_37 = vector.broadcast %max3A_23 : vector<1000x1xf32> to vector<1000x128xf32>
    %div3A_38 = arith.divf %get3A_8, %div3A_37 : vector<1000x128xf32>
    %get3A_39 = arith.constant 128 : index
    %get3A_40 = arith.constant 0 : index
    %get3A_41 = vector.load %arg4[%get3A_39, %get3A_40] : memref<256x128xf32, #tpu.memory_space<vmem>>, vector<128x128xf32>
    %dot_general3A_42 = arith.constant dense<0.000000e+00> : vector<1000x128xf32>
    %dot_general3A_43 = tpu.matmul %div3A_38, %get3A_41, %dot_general3A_42 {dimension_numbers = #tpu.dot_dimension_numbers<[1], [0], [0], [1], [0, 0, 1, 1], [], []>, transpose_lhs_hint = false} : vector<1000x128xf32>, vector<128x128xf32>, vector<1000x128xf32> -> vector<1000x128xf32>
    %add3A_44 = arith.addf %add3A, %dot_general3A_43 : vector<1000x128xf32>
    %get3A_45 = arith.constant 0 : index
    %get3A_46 = arith.constant 0 : index
    %get3A_47 = vector.load %arg5[%get3A_45, %get3A_46] : memref<1x128xf32, #tpu.memory_space<vmem>>, vector<1x128xf32>
    %add3A_48 = vector.broadcast %get3A_47 : vector<1x128xf32> to vector<1000x128xf32>
    %add3A_49 = arith.addf %add3A_44, %add3A_48 : vector<1000x128xf32>
    %swap3A = arith.constant 0 : index
    %swap3A_50 = arith.constant 0 : index
    %swap3A_51 = vector.load %arg6[%swap3A, %swap3A_50] : memref<1000x128xf32, #tpu.memory_space<vmem>>, vector<1000x128xf32>
    tpu.vector_store %arg6[%swap3A, %swap3A_50], %add3A_49 {strides = array<i32>} : memref<1000x128xf32, #tpu.memory_space<vmem>>, vector<1000x128xf32>,
    return
  }
  func.func @transform_0(%arg0: i32) -> (i32, i32) {
    %c0_i32 = arith.constant 0 : i32
    %c0_i32_0 = arith.constant 0 : i32
    return %arg0, %c0_i32 : i32, i32
  }
  func.func @transform_1(%arg0: i32) -> (i32, i32, i32) {
    %c0_i32 = arith.constant 0 : i32
    %c0_i32_0 = arith.constant 0 : i32
    %c0_i32_1 = arith.constant 0 : i32
    return %c0_i32, %arg0, %c0_i32_0 : i32, i32, i32
  }
  func.func @transform_2(%arg0: i32) -> (i32, i32) {
    %c0_i32 = arith.constant 0 : i32
    %c0_i32_0 = arith.constant 0 : i32
    %c0_i32_1 = arith.constant 0 : i32
    return %c0_i32, %c0_i32_0 : i32, i32
  }
  func.func @transform_3(%arg0: i32) -> (i32, i32) {
    %c0_i32 = arith.constant 0 : i32
    %c0_i32_0 = arith.constant 0 : i32
    %c0_i32_1 = arith.constant 0 : i32
    return %c0_i32, %c0_i32_0 : i32, i32
  }
  func.func @transform_4(%arg0: i32) -> (i32, i32) {
    %c0_i32 = arith.constant 0 : i32
    %c0_i32_0 = arith.constant 0 : i32
    %c0_i32_1 = arith.constant 0 : i32
    return %c0_i32, %c0_i32_0 : i32, i32
  }
  func.func @transform_5(%arg0: i32) -> (i32, i32) {
    %c0_i32 = arith.constant 0 : i32
    %c0_i32_0 = arith.constant 0 : i32
    return %arg0, %c0_i32 : i32, i32
  }
}

</mosaic_0001>

<sc_bundles>
// kernel: kernel.4.cloned.1.call-start
scs
__scs_entry_jumppad:
0x0: {  	(pc) =	sbr.rel $0x88, $3  }
0x1: {  	(tag) =	ssettag $0x0;
	lr =	simm.s32 $0x1  }
0x2: {  	[smem:$0x3F9B] =	sst lr;
	_ =	strace $0xD0000000  }
0x3: {  	_ = 	snop  }
0x4: {  	_ = 	snop  }
0x5: {  	_ = 	snop  }
0x6: {  	_ = 	snop  }
0x7: {  	_ = 	snop  }
__scs_overlays_trampoline_lowered:
0x8: {  	[smem:$0x3FAA] =	sst s0  }
0x9: {  	[smem:$0x3FAB] =	sst s1  }
0xa: {  	[smem:$0x3FAC] =	sst s2  }
0xb: {  	[smem:$0x3FAD] =	sst s3  }
0xc: {  	[smem:$0x3FAE] =	sst s4  }
0xd: {  	[smem:$0x3FAF] =	sst s5  }
0xe: {  	[smem:$0x3FB0] =	sst s6  }
0xf: {  	[smem:$0x3FB1] =	sst s7  }
0x10: {  	[smem:$0x3FB2] =	sst s8  }
0x11: {  	[smem:$0x3FB3] =	sst s9;
	s0 =	simm.s32 @!p0 $0x0  }
0x12: {  	s1 =	sld [smem:$0x3F99];
	s0 =	simm.s32 @p0 $0x1  }
0x13: {  	[smem:$0x3FB4] =	sst s0;
	s0 =	simm.s32 @!p1 $0x0  }
0x14: {  	s2 =	sld [smem:$0x3F98];
	s0 =	simm.s32 @p1 $0x1  }
0x15: {  	[smem:$0x3FB5] =	sst s0;
	s0 =	simm.s32 @!p2 $0x0  }
0x16: {  	s3 =	sld [smem:$0x3FDB];
	s0 =	simm.s32 @p2 $0x1  }
0x17: {  	s4 =	simm.s32 $0x1BF5;
	[smem:$0x3FB7] =	sst s0  }
0x18: {  	s0 =	sld [smem:$0x3F9A];
	_ =	swait.ge [sflag:s4], $0x0  }
0x19: {  	s7 =	sld [smem:$0x3F9B]  }
0x1a: {  	s8 =	sadd.s32 $0xFFFFE003, lr  }
0x1b: {  	s9 =	sadd.s32 $0xFFFFFEF7, lr;
	s5 =	simm.s32 $0xFFFFFFFF;
	p2 =	slt.u32 s8, $0xFFFFF086  }
0x1c: {  	p1 =	slt.u32 s9, $0xF7A;
	s5 =	simm.s32 @!p2 $0x0  }
0x1d: {  	s5 =	simm.s32 @p1 $0x1;
	p0 =	seq.s32 s7, s2  }
0x1e: {  	s7 =	smul.u32 @!p0 $0xF7A, s2;
	p2 =	seq.s32 @!p0 s5, $0x0  }
0x1f: {  	s9 =	smul.u32 $0xF7A, s1;
	s8 =	simm.s32 @!p0 $0x1BF5;
	p2 =	por !p2, p0  }
0x20: {  	[sflag:s8] =	ssyncset.s32 @!p0 $0xFFFFF086;
	s6 =	sadd.s32 @!p0 s3, s7;
	s7 =	simm.s32 @!p0 $0x108  }
0x21: {  	s3 =	sadd.s32 s3, s9;
	s6 =	sadd.s32 @!p0 $0x88, s6;
	s7 =	simm.s32 @p2 $0x1082  }
0x22: {  	[simem:s7], [sflag:s8] =	dma.local @!p0 [hbm:s6], $0xF7A  }
0x23: {  	s9 =	sor.u32 $0xD0000000, s2;
	s6 =	simm.s32 $0x108;
	_ =	swait.ge @!p0 [sflag:s8], $0x0  }
0x24: {  	s3 =	sadd.s32 $0x88, s3;
	s6 =	simm.s32 @!p1 $0x1082;
	[sflag:s4] =	ssyncset.s32 $0xFFFFF086  }
0x25: {  	[simem:s6], [sflag:s4] =	dma.local [hbm:s3], $0xF7A  }
0x26: {  	[smem:$0x3F9B] =	sst s1;
	(tag) =	ssettag s2;
	_ =	strace s9  }
0x27: {  	s1 =	sld [smem:$0x3FAB]  }
0x28: {  	s2 =	sld [smem:$0x3FAC]  }
0x29: {  	s4 =	sld [smem:$0x3FAE]  }
0x2a: {  	p0 =	seq.s32 s5, $0x0;
	s5 =	sld [smem:$0x3FAF]  }
0x2b: {  	s6 =	sld [smem:$0x3FB0]  }
0x2c: {  	s7 =	sld [smem:$0x3FB1]  }
0x2d: {  	s3 =	simm.s32 $0x108;
	s8 =	sld [smem:$0x3FB2]  }
0x2e: {  	s3 =	simm.s32 @!p0 $0x1082;
	s9 =	sld [smem:$0x3FB3]  }
0x2f: {  	lr =	sadd.s32 s0, s3;
	s0 =	sld [smem:$0x3FAA]  }
0x30: {  	s3 =	sld [smem:$0x3FAD]  }
0x31: {  	[smem:$0x3FB6] =	sst s10  }
0x32: {  	s10 =	sld [smem:$0x3FB4];
	_ =	sdelay $0x3  }
0x33: {  	p0 =	seq.s32 s10, $0x1;
	s10 =	sld [smem:$0x3FB6];
	_ =	sdelay $0x3  }
0x34: {  	[smem:$0x3FB6] =	sst s10  }
0x35: {  	s10 =	sld [smem:$0x3FB5];
	_ =	sdelay $0x3  }
0x36: {  	p1 =	seq.s32 s10, $0x1;
	s10 =	sld [smem:$0x3FB6];
	_ =	sdelay $0x3  }
0x37: {  	[smem:$0x3FB6] =	sst s10  }
0x38: {  	s10 =	sld [smem:$0x3FB7]  }
0x39: {  	_ = 	snop;
	(pc) =	sbr.ind lr, $3  }
0x3a: {  	_ = 	snop  }
0x3b: {  	_ = 	snop  }
0x3c: {  	p2 =	seq.s32 s10, $0x1;
	s10 =	sld [smem:$0x3FB6]  }
0x3d: {  	_ =	shalt  }
0x3e: {  	_ =	shalt  }
0x3f: {  	_ =	shalt  }
0x40: {  	_ =	shalt  }
0x41: {  	_ =	shalt  }
0x42: {  	_ =	shalt  }
0x43: {  	_ =	shalt  }
0x44: {  	_ =	shalt  }
0x45: {  	_ =	shalt  }
0x46: {  	_ =	shalt  }
0x47: {  	_ =	shalt  }
0x48: {  	_ =	shalt  }
0x49: {  	_ =	shalt  }
0x4a: {  	_ =	shalt  }
0x4b: {  	_ =	shalt  }
0x4c: {  	_ =	shalt  }
0x4d: {  	_ =	shalt  }
0x4e: {  	_ =	shalt  }
0x4f: {  	_ =	shalt  }
0x50: {  	_ =	shalt  }
0x51: {  	_ =	shalt  }
0x52: {  	_ =	shalt  }
0x53: {  	_ =	shalt  }
0x54: {  	_ =	shalt  }
0x55: {  	_ =	shalt  }
0x56: {  	_ =	shalt  }
0x57: {  	_ =	shalt  }
0x58: {  	_ =	shalt  }
0x59: {  	_ =	shalt  }
0x5a: {  	_ =	shalt  }
0x5b: {  	_ =	shalt  }
0x5c: {  	_ =	shalt  }
0x5d: {  	_ =	shalt  }
0x5e: {  	_ =	shalt  }
0x5f: {  	_ =	shalt  }
0x60: {  	_ =	shalt  }
0x61: {  	_ =	shalt  }
0x62: {  	_ =	shalt  }
0x63: {  	_ =	shalt  }
0x64: {  	_ =	shalt  }
0x65: {  	_ =	shalt  }
0x66: {  	_ =	shalt  }
0x67: {  	_ =	shalt  }
0x68: {  	_ =	shalt  }
0x69: {  	_ =	shalt  }
0x6a: {  	_ =	shalt  }
0x6b: {  	_ =	shalt  }
0x6c: {  	_ =	shalt  }
0x6d: {  	_ =	shalt  }
0x6e: {  	_ =	shalt  }
0x6f: {  	_ =	shalt  }
0x70: {  	_ =	shalt  }
0x71: {  	_ =	shalt  }
0x72: {  	_ =	shalt  }
0x73: {  	_ =	shalt  }
0x74: {  	_ =	shalt  }
0x75: {  	_ =	shalt  }
0x76: {  	_ =	shalt  }
0x77: {  	_ =	shalt  }
0x78: {  	_ =	shalt  }
0x79: {  	_ =	shalt  }
0x7a: {  	_ =	shalt  }
0x7b: {  	_ =	shalt  }
0x7c: {  	_ =	shalt  }
0x7d: {  	_ =	shalt  }
0x7e: {  	_ =	shalt  }
0x7f: {  	_ =	shalt  }
0x80: {  	_ =	shalt  }
0x81: {  	_ =	shalt  }
0x82: {  	_ =	shalt  }
0x83: {  	_ =	shalt  }
0x84: {  	_ =	shalt  }
0x85: {  	_ =	shalt  }
0x86: {  	_ =	shalt  }
0x87: {  	_ =	shalt  }
.Lfunc_end0:
.L_simem_size_0:
called_computation_lowered:
.L_overlay_start_0:
0x88: {  	s2 =	sld [smem:$0x3FD9]  }
0x89: {  	s3 =	sld [smem:$0x3FFE];
	_ =	sdelay $0x1  }
0x8a: {  	s1 =	srdreg.scid  }
0x8b: {  	s0 =	sand.u32 $0x1, s1  }
0x8c: {  	s17 =	sshll.u32 s0, $0xA;
	s2 =	sadd.s32 s3, s2  }
0x8d: {  	s2 =	sadd.s32 s2, s17  }
0x8e: {  	[smem:$0x3FC2] =	sst s2  }
0x8f: {  	_ = 	snop  }
0x90: {  	s2 =	sld [smem:$0x3FD0];
	(tm) =	ssettm $0x1  }
0x91: {  	s18 =	sld [smem:$0x3FFB];
	_ =	sdelay $0x3  }
0x92: {  	_ =	strace s18  }
0x93: {  	s3 =	sld [smem:$0x3FFC];
	_ =	sdelay $0x3  }
0x94: {  	_ =	strace s3  }
0x95: {  	s3 =	sld [smem:$0x3FFD];
	_ =	sdelay $0x3  }
0x96: {  	_ =	strace s3  }
0x97: {  	_ =	strace $0x8FFFFFFF  }
0x98: {  	s19 =	sld [smem:$0x3FDB];
	_ =	sdelay $0x1  }
0x99: {  	s4 =	simm.s32 $_scs_section_size  }
0x9a: {  	s5 =	simm.s32 $_size__tile_overlayer_lowered;
	s6 =	simm.s32 $_tile_overlayer_lowered  }
0x9b: {  	s22 =	simm.s32 $0x1BFF;
	s21 =	sshll.u32 s6, $0x1;
	s3 =	sadd.s32 s4, s19  }
0x9c: {  	s7 =	simm.s32 $0x0;
	s20 =	sshll.u32 s5, $0x1;
	s5 =	sadd.s32 s21, s3  }
0x9d: {  	[timem:s7], [sflag:s22] =	dma.local [hbm:s5], s20  }
0x9e: {  	_ =	swait.ge [sflag:s22], s20  }
0x9f: {  	s4 =	ssub.s32 $0x0, s20;
	[sflag:s22] =	ssyncset.done $0x0  }
0xa0: {  	[sflag:s22] =	ssyncadd.s32 s4;
	_ =	sdelay $0x1  }
0xa1: {  	s23 =	simm.s32 $0x1B8B  }
0xa2: {  	_ =	swait.ge [sflag:s23], $0x1  }
0xa3: {  	[sflag:s23] =	ssyncset.done $0x0  }
0xa4: {  	s25 =	simm.s32 $0x1B8E;
	s24 =	sld [smem:$0x3FFE];
	[sflag:s23] =	ssyncadd.s32 $0xFFFFFFFF  }
0xa5: {  	s26 =	simm.s32 $execute0_lowered;
	[smem:$0x3FD2] =	sst s25  }
0xa6: {  	s5 =	sshll.u32 s26, $0x1;
	_ =	strace $0x80000046;
	[dreg:$0x1] =	wrdreg $0xFFFFFFFF  }
0xa7: {  	s28 =	simm.s32 $_size_execute0_lowered;
	s3 =	sadd.s32 s3, s5;
	[dreg:$0x0] =	wrdreg $0x0  }
0xa8: {  	s5 =	sshll.u32 s28, $0x1;
	[dreg:$0x2] =	wrdreg s3  }
0xa9: {  	[dreg:$0x3] =	wrdreg s5  }
0xaa: {  	[dreg:$0x4] =	wrdreg $0xC0  }
0xab: {  	_ =	task [dreg:s7], $0x5FFFF  }
0xac: {  	[dreg:$0x1] =	wrdreg $0xFFFFFFFF  }
0xad: {  	[dreg:$0x0] =	wrdreg $0x60  }
0xae: {  	[dreg:$0x2] =	wrdreg s24  }
0xaf: {  	[dreg:$0x3] =	wrdreg s2  }
0xb0: {  	[dreg:$0x4] =	wrdreg $0x9C000  }
0xb1: {  	[dreg:$0x5] =	wrdreg $0x9  }
0xb2: {  	_ =	task.clear_ibuf [dreg:s7], $0x6FFFF;
	_ =	strace $0x90000046  }
0xb3: {  	s29 =	simm.s32 $0x9;
	_ =	strace $0x80000048  }
0xb4: {  	_ =	swait.ge [sflag:s29], $0x1  }
0xb5: {  	[sflag:s29] =	ssyncadd.s32 $0xFFFFFFFF  }
0xb6: {  	_ =	strace $0x90000048  }
0xb7: {  	_ =	sfence  }
0xb8: {  	s30 =	sld [smem:$0x0];
	_ =	sdelay $0x2  }
0xb9: {  	s31 =	sshll.u32 s1, $0xD;
	s1 =	sshrl.u32 s1, $0x2  }
0xba: {  	s3 =	sand.u32 $0x4000, s31;
	s1 =	sadd.s32 s1, s30  }
0xbb: {  	s0 =	sor.u32 s3, s0;
	s1 =	sshll.u32 s1, $0x11  }
0xbc: {  	s0 =	sor.u32 s1, s0  }
0xbd: {  	s0 =	sadd.s32 $0x8F2B, s0  }
0xbe: {  	[sflag:s0] =	ssyncadd.remote.s32 $0x1  }
0xbf: {  	_ =	sfence.sel $0xFFFF  }
0xc0: {  	[dreg:$0x0] =	wrdreg $0xFFFFFFFF;
	(pc) =	sbr.abs _section_cstart, $3  }
0xc1: {  	[dreg:$0x1] =	wrdreg $0xFFFFFFFF  }
0xc2: {  	_ =	task.clear_ibuf [dreg:s7], $0x2FFFF;
	_ =	strace $0x9FFFFFFF  }
0xc3: {  	(tm) =	ssettm $0x7FFFFFFF  }
tec
execute0_lowered:
.L_overlay_start_1:
0x0: {  	(tag) =	ssettag $0x1  }
0x1: {  	s0 =	srdreg.scid;
	s1 =	rddreg [dreg:$0x0]  }
0x2: {  	s6 =	stileid.u32;
	s10 =	rddreg [dreg:$0x1]  }
0x3: {  	s3 =	rddreg [dreg:$0x2];
	s4 =	simm.s32 $0x0;
	s28 =	simm.s32 $0x900  }
0x4: {  	s29 =	simm.s32 $0x980;
	s30 =	simm.s32 $0xA00;
	s5 =	smul.u32 $0x2800, s6  }
0x5: {  	s31 =	simm.s32 $0xA80;
	s0 =	sand.u32 $0x1, s0;
	s12 =	smul.u32 $0x16380, s6  }
0x6: {  	[smem:$0x7FF] =	sst s4;
	s14 =	sadd.s32 $0x36000, s1;
	s2 =	smul.u32 $0x28000, s0  }
0x7: {  	_ =	strace $0x80000047;
	s8 =	ssub.s32 $0x2, s0;
	s0 =	smul.u32 $0x163800, s0  }
0x8: {  	s9 =	sshrl.u32 s8, $0x1;
	s15 =	sadd.s32 $0x4800, s12;
	s17 =	sadd.s32 $0x9000, s12  }
0x9: {  	s18 =	sadd.s32 $0xD800, s12;
	s19 =	sadd.s32 $0x12000, s12;
	s2 =	sadd.s32 s5, s2  }
0xa: {  	s16 =	ssub.s32 s8, s9;
	s5 =	sadd.s32 s12, s3;
	s6 =	sadd.s32 s15, s3  }
0xb: {  	s7 =	sadd.s32 s17, s3;
	s8 =	sadd.s32 s18, s3;
	s9 =	sadd.s32 s19, s3  }
0xc: {  	s12 =	sadd.s32 s12, s0;
	s15 =	sadd.s32 s0, s15;
	s20 =	sadd.s32 s0, s17  }
0xd: {  	s24 =	sadd.s32 s0, s18;
	s0 =	sadd.s32 s0, s19;
	s19 =	simm.s32 $0xC00  }
0xe: {  	s11 =	sshrl.u32 s2, $0x3;
	s21 =	sshrl.u32 s15, $0x3;
	s22 =	sshrl.u32 s20, $0x3  }
0xf: {  	s2 =	sor.u32 $0x400, s2;
	s0 =	sshrl.u32 s0, $0x3;
	s25 =	smax.u32 s16, $0x1  }
0x10: {  	s20 =	simm.s32 $0x4;
	s13 =	sadd.s32 s11, s1;
	s11 =	sadd.s32 s10, s11  }
0x11: {  	s23 =	sadd.s32 s14, s22;
	s2 =	sshrl.u32 s2, $0x3;
	[dreg:$0xa] =	wrdreg s25  }
0x12: {  	s0 =	sadd.s32 s14, s0;
	s22 =	simm.s32 $0x5400;
	[dreg:$0x4] =	wrdreg s11  }
0x13: {  	s25 =	simm.s32 $0x2;
	s11 =	sshrl.u32 s12, $0x3;
	[dreg:$0x7] =	wrdreg s23  }
0x14: {  	[dreg:$0x9] =	wrdreg s0;
	s26 =	sadd.s32 s2, s10;
	s23 =	simm.s32 $0x800  }
.Ltmp0:
0x15: {  	s11 =	sadd.s32 s14, s11;
	[dreg:$0xb] =	wrdreg s26;
	(pc) =	sbr.rel .LBB2_1-.Ltmp0, $4  }
0x16: {  	s2 =	simm.s32 $0xB80;
	[dreg:$0x5] =	wrdreg s11;
	s11 =	sadd.s32 s14, s21  }
0x17: {  	s0 =	simm.s32 $0x0;
	[dreg:$0x6] =	wrdreg s11;
	s11 =	sshrl.u32 s24, $0x3  }
0x18: {  	s26 =	simm.s32 $0x880;
	s21 =	simm.s32 $0x80;
	s11 =	sadd.s32 s14, s11  }
0x19: {  	v0 =	vimm.f32 $0.0e+00;
	s24 =	simm.s32 $0x1;
	[dreg:$0x8] =	wrdreg s11;
	s11 =	sadd.s32 $0x2C000, s13  }
.LBB2_6:
0x1a: {  	s10 =	stileid.u32  }
0x1b: {  	[bflag:$0x0] =	sbarrier.arrive $0xFFFF;
	s10 =	sshll.u32 s10, $0x6  }
0x1c: {  	s12 =	sshrl.u32 s5, $0x3;
	s13 =	rddreg [dreg:$0x5];
	s10 =	sor.u32 $0x1C04, s10  }
0x1d: {  	[hbm:s13], [sflag:s10] =	dma.local [spmem:s12], $0x900  }
0x1e: {  	_ =	swait.ge [sflag:s20], $0x900  }
0x1f: {  	[sflag:s20] =	ssyncset.done $0x0  }
0x20: {  	s15 =	sshrl.u32 s6, $0x3;
	s16 =	rddreg [dreg:$0x6];
	[sflag:s20] =	ssyncadd.s32 $0xFFFFF700  }
0x21: {  	[hbm:s16], [sflag:s10] =	dma.local [spmem:s15], $0x900  }
0x22: {  	_ =	swait.ge [sflag:s20], $0x900  }
0x23: {  	[sflag:s20] =	ssyncset.done $0x0  }
0x24: {  	s17 =	sshrl.u32 s7, $0x3;
	s18 =	rddreg [dreg:$0x7];
	[sflag:s20] =	ssyncadd.s32 $0xFFFFF700  }
0x25: {  	[hbm:s18], [sflag:s10] =	dma.local [spmem:s17], $0x900  }
0x26: {  	_ =	swait.ge [sflag:s20], $0x900  }
0x27: {  	[sflag:s20] =	ssyncset.done $0x0  }
0x28: {  	s14 =	sshrl.u32 s8, $0x3;
	s15 =	rddreg [dreg:$0x8];
	[sflag:s20] =	ssyncadd.s32 $0xFFFFF700  }
0x29: {  	[hbm:s15], [sflag:s10] =	dma.local [spmem:s14], $0x900  }
0x2a: {  	_ =	swait.ge [sflag:s20], $0x900  }
0x2b: {  	[sflag:s20] =	ssyncset.done $0x0  }
0x2c: {  	s16 =	sshrl.u32 s9, $0x3;
	s17 =	rddreg [dreg:$0x9];
	[sflag:s20] =	ssyncadd.s32 $0xFFFFF700  }
0x2d: {  	[hbm:s17], [sflag:s10] =	dma.local [spmem:s16], $0x870  }
0x2e: {  	_ =	swait.ge [sflag:s20], $0x870  }
0x2f: {  	s0 =	sadd.s32 $0x1, s0;
	s18 =	rddreg [dreg:$0xa]  }
0x30: {  	p0 =	sne.s32 s0, s18  }
.Ltmp1:
0x31: {  	_ = 	snop;
	(pc) =	sbr.rel @!p0 .LBB2_7-.Ltmp1, $3  }
0x32: {  	_ =	sdelay $0x1  }
0x33: {  	[sflag:s20] =	ssyncset.done $0x0  }
0x34: {  	[sflag:s20] =	ssyncadd.s32 $0xFFFFF790  }
.LBB2_1:
0x35: {  	s10 =	simm.s32 $0x0;
	s13 =	simm.s32 $0x240  }
.LBB2_2:
0x36: {  	p0 =	sne.s32 s13, $0x11DC0;
	[tilespmem:s10+$0xC80] =	vst v0  }
0x37: {  	[tilespmem:s10+$0xC00] =	vst v0  }
0x38: {  	[tilespmem:s10+$0xC10] =	vst v0  }
0x39: {  	[tilespmem:s10+$0xC20] =	vst v0  }
.Ltmp2:
0x3a: {  	[tilespmem:s10+$0xC30] =	vst v0;
	(pc) =	sbr.rel @p0 .LBB2_2-.Ltmp2, $4  }
0x3b: {  	[tilespmem:s10+$0xC40] =	vst v0  }
0x3c: {  	[tilespmem:s10+$0xC50] =	vst v0  }
0x3d: {  	[tilespmem:s10+$0xC60] =	vst v0  }
0x3e: {  	[tilespmem:s10+$0xC70] =	vst v0;
	s10 =	sshra.s32 s13, $0x2;
	s13 =	sadd.s32 $0x240, s13  }
0x3f: {  	[tilespmem:s10+$0xC80] =	vst v0  }
0x40: {  	[tilespmem:s10+$0xC00] =	vst v0  }
0x41: {  	[tilespmem:s10+$0xC10] =	vst v0  }
0x42: {  	[tilespmem:s10+$0xC20] =	vst v0  }
0x43: {  	[tilespmem:s10+$0xC30] =	vst v0  }
0x44: {  	[tilespmem:s10+$0xC40] =	vst v0  }
0x45: {  	[tilespmem:s10+$0xC50] =	vst v0  }
0x46: {  	[tilespmem:s10+$0xC60] =	vst v0  }
0x47: {  	[tilespmem:s10+$0xC70] =	vst v0  }
0x48: {  	[spmem:s5] =	stream.linear.scatter [tilespmem:s19], [sflag:$0x4], $0x4800, $0x38;
	[tilespmem:$0x1FF80] =	vst v63  }
0x49: {  	_ =	swait.ge [sflag:s20], $0x4800  }
0x4a: {  	[sflag:s20] =	ssyncset.done $0x0  }
0x4b: {  	[sflag:s20] =	ssyncadd.s32 $0xFFFFB800  }
0x4c: {  	[spmem:s6] =	stream.linear.scatter [tilespmem:s19], [sflag:$0x4], $0x4800, $0x38;
	[tilespmem:$0x1FF80] =	vst v63  }
0x4d: {  	_ =	swait.ge [sflag:s20], $0x4800  }
0x4e: {  	[sflag:s20] =	ssyncset.done $0x0  }
0x4f: {  	[sflag:s20] =	ssyncadd.s32 $0xFFFFB800  }
0x50: {  	[spmem:s7] =	stream.linear.scatter [tilespmem:s19], [sflag:$0x4], $0x4800, $0x38;
	[tilespmem:$0x1FF80] =	vst v63  }
0x51: {  	_ =	swait.ge [sflag:s20], $0x4800  }
0x52: {  	[sflag:s20] =	ssyncset.done $0x0  }
0x53: {  	[sflag:s20] =	ssyncadd.s32 $0xFFFFB800  }
0x54: {  	[spmem:s8] =	stream.linear.scatter [tilespmem:s19], [sflag:$0x4], $0x4800, $0x38;
	[tilespmem:$0x1FF80] =	vst v63  }
0x55: {  	_ =	swait.ge [sflag:s20], $0x4800  }
0x56: {  	[sflag:s20] =	ssyncset.done $0x0  }
0x57: {  	[sflag:s20] =	ssyncadd.s32 $0xFFFFB800  }
0x58: {  	[spmem:s9] =	stream.linear.scatter [tilespmem:s19], [sflag:$0x4], $0x4380, $0x38;
	[tilespmem:$0x1FF80] =	vst v63  }
0x59: {  	_ =	swait.ge [sflag:s20], $0x4380  }
0x5a: {  	[sflag:s20] =	ssyncset.done $0x0  }
0x5b: {  	[sflag:s20] =	ssyncadd.s32 $0xFFFFBC80  }
0x5c: {  	[bflag:$0x0] =	sbarrier.arrive $0xFFFF  }
0x5d: {  	s10 =	simm.s32 $0x0;
	s12 =	rddreg [dreg:$0x4]  }
0x5e: {  	[tilespmem:s10], [sflag:$0x4] =	stream.linear.gather [hbm4b:s12+s10], $0x400, $0x38;
	[tilespmem:$0x1FF80] =	vst v63  }
0x5f: {  	_ =	swait.ge [sflag:s20], $0x400  }
0x60: {  	[sflag:s20] =	ssyncset.done $0x0  }
0x61: {  	[sflag:s20] =	ssyncadd.s32 $0xFFFFFC00  }
0x62: {  	[tilespmem:s19], [sflag:$0x1] =	stream.indirect.gather [hbm4b:s1+s21], $0x90, s10, s21, $0xb8;
	[tilespmem:$0x1FF80] =	vst v63  }
0x63: {  	s18 =	smov.u32 s11;
	s17 =	rddreg [dreg:$0xb]  }
0x64: {  	[tilespmem:s22], [sflag:$0x2] =	stream.indirect.gather [hbm4b:s1+s21], $0x90, s21, s21, $0xb8;
	[tilespmem:$0x1FF80] =	vst v63  }
.LBB2_4:
0x65: {  	s13 =	sand.u32 $0x1, s10  }
0x66: {  	[tilespmem:s23], [sflag:$0x4] =	stream.linear.gather [hbm4b:s18+s4], $0x400, $0x38;
	[tilespmem:$0x1FF80] =	vst v63  }
0x67: {  	s14 =	sshll.u32 s13, $0x3;
	_ =	swait.ge [sflag:s20], $0x400  }
0x68: {  	p0 =	seq.s32 s10, $0x9;
	s14 =	sxor.u32 $0x8, s14;
	[sflag:s20] =	ssyncset.done $0x0  }
0x69: {  	s15 =	simm.s32 @!p0 $0x0;
	[sflag:s20] =	ssyncadd.s32 $0xFFFFFC00;
	s14 =	sshll.u32 @!p0 s14, $0x7  }
0x6a: {  	[tilespmem:s14], [sflag:$0x3] =	stream.linear.gather @!p0 [hbm4b:s17+s15], $0x400, $0x38;
	[tilespmem:$0x1FF80] =	vst v63  }
0x6b: {  	_ =	swait.ge [sflag:s24], $0x4800  }
0x6c: {  	[sflag:s24] =	ssyncset.done $0x0  }
0x6d: {  	[sflag:s24] =	ssyncadd.s32 $0xFFFFB800  }
0x6e: {  	[spmem:s3] =	stream.indirect.scatter.add.f32 [tilespmem:s19], [sflag:$0x4], $0x90, s23, s21, $0xb8;
	[tilespmem:$0x1FF80] =	vst v63  }
0x6f: {  	_ =	swait.ge [sflag:s20], $0x4800  }
0x70: {  	s13 =	sshll.u32 s13, $0xA;
	[sflag:s20] =	ssyncset.done $0x0  }
0x71: {  	s12 =	sor.u32 $0x100, s13;
	[sflag:s20] =	ssyncadd.s32 $0xFFFFB800  }
0x72: {  	[tilespmem:s19], [sflag:$0x1] =	stream.indirect.gather [hbm4b:s1+s21], $0x90, s12, s21, $0xb8;
	[tilespmem:$0x1FF80] =	vst v63  }
0x73: {  	_ =	swait.ge [sflag:s25], $0x4800  }
0x74: {  	[sflag:s25] =	ssyncset.done $0x0  }
0x75: {  	[sflag:s25] =	ssyncadd.s32 $0xFFFFB800  }
0x76: {  	[spmem:s3] =	stream.indirect.scatter.add.f32 [tilespmem:s22], [sflag:$0x4], $0x90, s26, s21, $0xb8;
	[tilespmem:$0x1FF80] =	vst v63  }
0x77: {  	_ =	swait.ge [sflag:s20], $0x4800  }
0x78: {  	[sflag:s20] =	ssyncset.done $0x0  }
0x79: {  	s16 =	sor.u32 $0x180, s13;
	[sflag:s20] =	ssyncadd.s32 $0xFFFFB800  }
0x7a: {  	[tilespmem:s22], [sflag:$0x2] =	stream.indirect.gather [hbm4b:s1+s21], $0x90, s16, s21, $0xb8;
	[tilespmem:$0x1FF80] =	vst v63  }
0x7b: {  	_ =	swait.ge [sflag:s24], $0x4800  }
0x7c: {  	[sflag:s24] =	ssyncset.done $0x0  }
0x7d: {  	[sflag:s24] =	ssyncadd.s32 $0xFFFFB800  }
0x7e: {  	[spmem:s3] =	stream.indirect.scatter.add.f32 [tilespmem:s19], [sflag:$0x4], $0x90, s28, s21, $0xb8;
	[tilespmem:$0x1FF80] =	vst v63  }
0x7f: {  	_ =	swait.ge [sflag:s20], $0x4800  }
0x80: {  	[sflag:s20] =	ssyncset.done $0x0  }
0x81: {  	s12 =	sor.u32 $0x200, s13;
	[sflag:s20] =	ssyncadd.s32 $0xFFFFB800  }
0x82: {  	[tilespmem:s19], [sflag:$0x1] =	stream.indirect.gather [hbm4b:s1+s21], $0x90, s12, s21, $0xb8;
	[tilespmem:$0x1FF80] =	vst v63  }
0x83: {  	_ =	swait.ge [sflag:s25], $0x4800  }
0x84: {  	[sflag:s25] =	ssyncset.done $0x0  }
0x85: {  	[sflag:s25] =	ssyncadd.s32 $0xFFFFB800  }
0x86: {  	[spmem:s3] =	stream.indirect.scatter.add.f32 [tilespmem:s22], [sflag:$0x4], $0x90, s29, s21, $0xb8;
	[tilespmem:$0x1FF80] =	vst v63  }
0x87: {  	_ =	swait.ge [sflag:s20], $0x4800  }
0x88: {  	[sflag:s20] =	ssyncset.done $0x0  }
0x89: {  	s16 =	sor.u32 $0x280, s13;
	[sflag:s20] =	ssyncadd.s32 $0xFFFFB800  }
0x8a: {  	[tilespmem:s22], [sflag:$0x2] =	stream.indirect.gather [hbm4b:s1+s21], $0x90, s16, s21, $0xb8;
	[tilespmem:$0x1FF80] =	vst v63  }
0x8b: {  	_ =	swait.ge [sflag:s24], $0x4800  }
0x8c: {  	[sflag:s24] =	ssyncset.done $0x0  }
0x8d: {  	[sflag:s24] =	ssyncadd.s32 $0xFFFFB800  }
0x8e: {  	[spmem:s3] =	stream.indirect.scatter.add.f32 [tilespmem:s19], [sflag:$0x4], $0x90, s30, s21, $0xb8;
	[tilespmem:$0x1FF80] =	vst v63  }
0x8f: {  	_ =	swait.ge [sflag:s20], $0x4800  }
0x90: {  	[sflag:s20] =	ssyncset.done $0x0  }
0x91: {  	s12 =	sor.u32 $0x300, s13;
	[sflag:s20] =	ssyncadd.s32 $0xFFFFB800  }
0x92: {  	[tilespmem:s19], [sflag:$0x1] =	stream.indirect.gather [hbm4b:s1+s21], $0x90, s12, s21, $0xb8;
	[tilespmem:$0x1FF80] =	vst v63  }
0x93: {  	_ =	swait.ge [sflag:s25], $0x4800  }
0x94: {  	[sflag:s25] =	ssyncset.done $0x0  }
0x95: {  	[sflag:s25] =	ssyncadd.s32 $0xFFFFB800  }
0x96: {  	[spmem:s3] =	stream.indirect.scatter.add.f32 [tilespmem:s22], [sflag:$0x4], $0x90, s31, s21, $0xb8;
	[tilespmem:$0x1FF80] =	vst v63  }
0x97: {  	_ =	swait.ge [sflag:s20], $0x4800  }
0x98: {  	[sflag:s20] =	ssyncset.done $0x0  }
0x99: {  	s15 =	simm.s32 @p0 $0x1;
	s16 =	sor.u32 $0x380, s13;
	[sflag:s20] =	ssyncadd.s32 $0xFFFFB800  }
0x9a: {  	[tilespmem:s22], [sflag:$0x2] =	stream.indirect.gather [hbm4b:s1+s21], $0x90, s16, s21, $0xb8;
	[tilespmem:$0x1FF80] =	vst v63  }
0x9b: {  	_ =	swait.ge @p0 [sflag:s15], $0x4800  }
0x9c: {  	s12 =	simm.s32 @p0 $0xC00;
	[sflag:s15] =	ssyncset.done @p0 $0x0  }
0x9d: {  	s16 =	simm.s32 @p0 $0xB00;
	[sflag:s15] =	ssyncadd.s32 @p0 $0xFFFFB800;
	s15 =	simm.s32 @p0 $0x80  }
0x9e: {  	[spmem:s3] =	stream.indirect.scatter.add.f32 @p0 [tilespmem:s12], [sflag:$0x4], $0x90, s16, s15, $0xb8;
	[tilespmem:$0x1FF80] =	vst v63  }
0x9f: {  	s12 =	simm.s32 @p0 $0x4  }
0xa0: {  	_ =	swait.ge @p0 [sflag:s12], $0x4800  }
0xa1: {  	[sflag:s12] =	ssyncset.done @p0 $0x0  }
0xa2: {  	[sflag:s12] =	ssyncadd.s32 @p0 $0xFFFFB800;
	s12 =	simm.s32 @!p0 $0x3  }
0xa3: {  	_ =	swait.ge @!p0 [sflag:s12], $0x400  }
0xa4: {  	[sflag:s12] =	ssyncset.done @!p0 $0x0  }
0xa5: {  	[sflag:s12] =	ssyncadd.s32 @!p0 $0xFFFFFC00;
	s12 =	simm.s32 @!p0 $0x1  }
0xa6: {  	_ =	swait.ge @!p0 [sflag:s12], $0x4800  }
0xa7: {  	s15 =	simm.s32 @!p0 $0xB00;
	[sflag:s12] =	ssyncset.done @!p0 $0x0  }
0xa8: {  	s16 =	simm.s32 @!p0 $0xC00;
	[sflag:s12] =	ssyncadd.s32 @!p0 $0xFFFFB800;
	s12 =	simm.s32 @!p0 $0x80  }
0xa9: {  	[spmem:s3] =	stream.indirect.scatter.add.f32 @!p0 [tilespmem:s16], [sflag:$0x4], $0x90, s15, s12, $0xb8;
	[tilespmem:$0x1FF80] =	vst v63  }
0xaa: {  	s15 =	simm.s32 @!p0 $0x4  }
0xab: {  	_ =	swait.ge @!p0 [sflag:s15], $0x4800  }
0xac: {  	[sflag:s15] =	ssyncset.done @!p0 $0x0  }
0xad: {  	[sflag:s15] =	ssyncadd.s32 @!p0 $0xFFFFB800  }
0xae: {  	[tilespmem:s16], [sflag:$0x1] =	stream.indirect.gather @!p0 [hbm4b:s1+s12], $0x90, s14, s12, $0xb8;
	[tilespmem:$0x1FF80] =	vst v63  }
0xaf: {  	_ =	swait.ge [sflag:s25], $0x4800  }
0xb0: {  	[sflag:s25] =	ssyncset.done $0x0  }
.Ltmp3:
0xb1: {  	[sflag:s25] =	ssyncadd.s32 $0xFFFFB800;
	(pc) =	sbr.rel @p0 .LBB2_6-.Ltmp3, $4  }
0xb2: {  	[spmem:s3] =	stream.indirect.scatter.add.f32 [tilespmem:s22], [sflag:$0x4], $0x90, s2, s21, $0xb8;
	[tilespmem:$0x1FF80] =	vst v63  }
0xb3: {  	_ =	swait.ge [sflag:s20], $0x4800  }
0xb4: {  	[sflag:s20] =	ssyncset.done $0x0  }
0xb5: {  	[sflag:s20] =	ssyncadd.s32 $0xFFFFB800  }
.Ltmp4:
0xb6: {  	(pc) =	sbr.rel .LBB2_4-.Ltmp4, $4  }
0xb7: {  	_ = 	snop  }
0xb8: {  	s12 =	sxor.u32 $0x480, s13  }
0xb9: {  	s10 =	sadd.s32 $0x1, s10;
	s17 =	sadd.s32 $0x80, s17;
	s18 =	sadd.s32 $0x80, s18  }
0xba: {  	[tilespmem:s22], [sflag:$0x2] =	stream.indirect.gather [hbm4b:s1+s21], $0x90, s12, s21, $0xb8;
	[tilespmem:$0x1FF80] =	vst v63  }
.LBB2_7:
0xbb: {  	_ =	sfence.sel $0x180000  }
0xbc: {  	[bflag:$0x0] =	sbarrier.arrive $0xFFFF  }
0xbd: {  	_ =	strace $0x90000047  }
0xbe: {  	s0 =	stileid.u32;
	[bflag:$0x2] =	sbarrier.arrive $0xFFFF  }
0xbf: {  	p0 =	sne.s32 s0, $0x0;
	s0 =	rddreg [dreg:$0x3]  }
0xc0: {  	s0 =	sadd.s32 @!p0 $0x100000, s0  }
0xc1: {  	[sflag:s0] =	ssyncadd.tile.s32 @!p0 $0x1;
	_ =	shalt  }
.Lfunc_end2:
_tile_overlayer_lowered:
.L_overlay_start_2:
0xc2: {  	(tag) =	ssettag $0x2  }
0xc3: {  	s0 =	rddreg [dreg:$0x0];
	s2 =	stileid.u32  }
0xc4: {  	s1 =	rddreg [dreg:$0x1];
	p0 =	sne.s32 s2, $0x0  }
0xc5: {  	s3 =	rddreg [dreg:$0x2];
	[bflag:$0x3] =	sbarrier.arrive $0xFFFF;
	s2 =	simm.s32 @!p0 $0x1C04  }
0xc6: {  	[timem:s3], [sflag:s2] =	dma.local @!p0 [hbm:s0], s1  }
0xc7: {  	s0 =	simm.s32 @!p0 $0x4  }
0xc8: {  	_ =	swait.ge @!p0 [sflag:s0], s1  }
0xc9: {  	s1 =	ssub.s32 @!p0 $0x0, s1;
	[sflag:s0] =	ssyncset.done @!p0 $0x0  }
0xca: {  	[sflag:s0] =	ssyncadd.s32 @!p0 s1  }
0xcb: {  	[bflag:$0x3] =	sbarrier.arrive $0xFFFF  }
0xcc: {  	_ =	shalt  }

</sc_bundles>
